<compile_context>
chip_gen: v7x
topology: tpu7x:2x2x1
jax: 0.10.2.dev20260603
libtpu: 0.0.44.dev20260713+nightly
codegen_flags: <defaults>
</compile_context>

<pallas_src>
import functools

import jax
import jax.numpy as jnp
from jax import lax
from jax.experimental import pallas as pl
from jax.experimental.pallas import tpu as pltpu
from jax.experimental.pallas import tpu_sc as plsc

NF = 16
NL = 64
S = 50
SCG = NF * NL
NND = SCG * S
EPG = 800
H1 = 64
H2 = 64
A1 = 32
A2 = 32
GB = 16


def _embw_body(embt_ref, w1_ref, out_ref):
    out_ref[:, :H1] = lax.dot_general(
        embt_ref[...], w1_ref[...], (((0,), (0,)), ((), ())),
        preferred_element_type=jnp.float32)
    out_ref[:, H1:] = jnp.zeros_like(out_ref[:, H1:])


def _tc_embw(embt, W1):
    v = embt.shape[1]
    vb = 8192
    return pl.pallas_call(
        _embw_body,
        grid=(pl.cdiv(v, vb),),
        in_specs=[
            pl.BlockSpec((S, vb), lambda i: (0, i)),
            pl.BlockSpec((S, H1), lambda i: (0, 0)),
        ],
        out_specs=pl.BlockSpec((vb, 128), lambda i: (i, 0)),
        out_shape=jax.ShapeDtypeStruct((v, 128), jnp.float32),
        compiler_params=pltpu.CompilerParams(
            fuse_transposed_lhs_in_matmul=True),
    )(embt, W1)


def _sc_gather(table, tokens):
    info = plsc.get_sparse_core_info()
    nw = info.num_cores * info.num_subcores
    bpw = NND // nw
    half = bpw // 2

    mesh = plsc.VectorSubcoreMesh(core_axis_name="c", subcore_axis_name="s")

    @functools.partial(
        pl.kernel,
        mesh=mesh,
        out_type=jax.ShapeDtypeStruct((NND, 128), jnp.float32),
        scratch_types=[
            pltpu.VMEM((bpw,), jnp.int32),
            pltpu.VMEM((half, 128), jnp.float32),
            pltpu.SemaphoreType.DMA,
        ],
    )
    def k(table_hbm, idx_hbm, out_hbm, idx_v, rows_v, sem):
        wid = lax.axis_index("s") * info.num_cores + lax.axis_index("c")
        base = wid * bpw
        pltpu.sync_copy(idx_hbm.at[pl.ds(base, bpw)], idx_v)
        for r in range(2):
            pltpu.async_copy(
                table_hbm.at[idx_v.at[pl.ds(r * half, half)]], rows_v, sem
            ).wait()
            pltpu.sync_copy(rows_v, out_hbm.at[pl.ds(base + r * half, half)])

    return k(table, tokens)


def _sc_counts(edges_flat, zeros_blk):
    info = plsc.get_sparse_core_info()
    nw = info.num_cores * info.num_subcores
    gpt = SCG // nw
    rl = 16
    rounds = gpt // rl
    ewords = 2 * EPG * rl

    rrows = rl * S

    mesh = plsc.VectorSubcoreMesh(core_axis_name="c", subcore_axis_name="s")

    @functools.partial(
        pl.kernel,
        mesh=mesh,
        out_type=jax.ShapeDtypeStruct((SCG * S, 128), jnp.float32),
        scratch_types=[
            pltpu.VMEM((ewords,), jnp.int32),
            pltpu.VMEM((rrows, 128), jnp.float32),
        ],
        compiler_params=pltpu.CompilerParams(needs_layout_passes=False),
    )
    def k(edges_hbm, zeros_hbm, out_hbm, ebuf, cbuf):
        wid = lax.axis_index("s") * info.num_cores + lax.axis_index("c")
        lanes = lax.iota(jnp.int32, 16)
        lane_base = lanes * (2 * EPG)
        lane_row = lanes * S
        ones16 = jnp.ones((16,), jnp.float32)
        col_deg = jnp.full((16,), H1, jnp.int32)
        for r in range(rounds):
            blk = wid * rounds + r
            pltpu.sync_copy(edges_hbm.at[pl.ds(blk * ewords, ewords)], ebuf)
            pltpu.sync_copy(zeros_hbm, cbuf)

            @plsc.parallel_loop(0, EPG, 1, unroll=8)
            def edge_body(e):
                s_v = plsc.load_gather(ebuf, [lane_base + e])
                d_v = plsc.load_gather(ebuf, [lane_base + (EPG + e)])
                plsc.addupdate_scatter(cbuf, [lane_row + s_v, d_v], ones16)
                plsc.addupdate_scatter(cbuf, [lane_row + d_v, col_deg],
                                       ones16)
            pltpu.sync_copy(cbuf, out_hbm.at[pl.ds(blk * rrows, rrows)])

    return k(edges_flat, zeros_blk)


def _word_body(ct_ref, xw_ref, b1_ref, g1_ref, be1_ref, attw_ref,
               attb_ref, ctx_ref, w2_ref, b2_ref,
               wout_ref, sents_ref, line_ref):
    ct_rows = ct_ref[...]
    xw64 = xw_ref[:, :H1]
    deg_r = ct_ref[:, H1:H1 + 1] + 1.0
    dinv_r3 = lax.rsqrt(deg_r).reshape(GB, S, 1)
    ct3 = ct_rows.reshape(GB, S, 128)
    deg_l = jnp.sum(ct3, axis=1, keepdims=True) + 1.0
    lmask = (lax.broadcasted_iota(jnp.int32, (1, 1, 128), 2)
             != H1).astype(jnp.float32)
    dinv_l = lax.rsqrt(deg_l) * lmask

    y3 = xw64.reshape(GB, S, H1) * dinv_r3
    cy = lax.dot_general(ct3, y3, (((1,), (1,)), ((0,), (0,))),
                         preferred_element_type=jnp.float32)
    wo = (cy[:, :S, :] + y3) * dinv_r3 + b1_ref[...][None, None, :]

    mu = jnp.sum(wo, axis=2, keepdims=True) * (1.0 / H1)
    var = jnp.sum(wo * wo, axis=2, keepdims=True) * (1.0 / H1) - mu * mu
    normed = (wo - mu) * lax.rsqrt(var + 1e-5) * g1_ref[...][None, None, :] \
        + be1_ref[...][None, None, :]

    t = jnp.tanh(jnp.dot(normed.reshape(GB * S, H1), attw_ref[...],
                         preferred_element_type=jnp.float32)
                 + attb_ref[...][None, :])
    t3 = t.reshape(GB, S, A1)
    att = jnp.sum(t3 * ctx_ref[...][None, None, :], axis=2, keepdims=True)
    mx = jnp.max(att, axis=1, keepdims=True)
    ex = jnp.exp(att - mx)
    w = ex / jnp.sum(ex, axis=1, keepdims=True)
    wout_ref[...] = jnp.swapaxes(w, 1, 2).reshape(1, GB, S)

    sents = wo * w
    sents_ref[...] = sents

    uc = jnp.sum(ct3 * dinv_l, axis=2, keepdims=True)
    coeff = (uc + dinv_r3) * dinv_r3
    vsum = jnp.sum(sents * coeff, axis=1)
    line = jnp.dot(vsum, w2_ref[...], preferred_element_type=jnp.float32) \
        + float(S) * b2_ref[...][None, :]
    line_ref[...] = line


def _sent_body(line_ref, g2_ref, be2_ref, sattw_ref, sattb_ref, sctx_ref,
               fcw_ref, fcb_ref, sw_ref, scores_ref):
    line = line_ref[...]
    mu = jnp.mean(line, axis=1, keepdims=True)
    var = jnp.mean((line - mu) ** 2, axis=1, keepdims=True)
    normed = (line - mu) * lax.rsqrt(var + 1e-5) * g2_ref[...][None, :] \
        + be2_ref[...][None, :]
    t = jnp.tanh(jnp.dot(normed, sattw_ref[...],
                         preferred_element_type=jnp.float32)
                 + sattb_ref[...][None, :])
    att = jnp.sum(t * sctx_ref[...][None, :], axis=1, keepdims=True)
    att3 = att.reshape(NF, NL, 1)
    mx = jnp.max(att3, axis=1, keepdims=True)
    ex = jnp.exp(att3 - mx)
    sw = ex / jnp.sum(ex, axis=1, keepdims=True)
    sw_ref[...] = sw
    code = jnp.sum(line.reshape(NF, NL, H2) * sw, axis=1)
    scores = jnp.dot(code, fcw_ref[...], preferred_element_type=jnp.float32) \
        + fcb_ref[...][None, :]
    scores_ref[...] = 1.0 / (1.0 + jnp.exp(-scores))


def kernel(code_tensor, word_edge, line_edge, emb, W1, b1, g1, be1, attW,
           attb, ctx, W2, b2, g2, be2, sattW, sattb, sctx, fcW, fcb):
    del line_edge
    tokens = code_tensor.reshape(NND).astype(jnp.int32)
    edges_flat = word_edge.reshape(-1).astype(jnp.int32)
    edges_flat, W1b, emb_b = lax.optimization_barrier((edges_flat, W1, emb))
    zeros_blk = jnp.zeros((16 * S, 128), jnp.float32)
    counts = _sc_counts(edges_flat, zeros_blk)

    embw = _tc_embw(emb_b.T, W1b)
    tokens, counts = lax.optimization_barrier((tokens, counts))
    xw = _sc_gather(embw, tokens)

    nsteps = SCG // GB
    wspec = [
        pl.BlockSpec((H1,), lambda i: (0,)),
        pl.BlockSpec((H1,), lambda i: (0,)),
        pl.BlockSpec((H1,), lambda i: (0,)),
        pl.BlockSpec((H1, A1), lambda i: (0, 0)),
        pl.BlockSpec((A1,), lambda i: (0,)),
        pl.BlockSpec((A1,), lambda i: (0,)),
        pl.BlockSpec((H1, H2), lambda i: (0, 0)),
        pl.BlockSpec((H2,), lambda i: (0,)),
    ]
    wout, sents, line_out = pl.pallas_call(
        _word_body,
        grid=(nsteps,),
        in_specs=[
            pl.BlockSpec((GB * S, 128), lambda i: (i, 0)),
            pl.BlockSpec((GB * S, 128), lambda i: (i, 0)),
        ] + wspec,
        out_specs=[
            pl.BlockSpec((1, GB, S), lambda i: (i // (NL // GB),
                                                i % (NL // GB), 0)),
            pl.BlockSpec((GB, S, H1), lambda i: (i, 0, 0)),
            pl.BlockSpec((GB, H2), lambda i: (i, 0)),
        ],
        out_shape=[
            jax.ShapeDtypeStruct((NF, NL, S), jnp.float32),
            jax.ShapeDtypeStruct((SCG, S, H1), jnp.float32),
            jax.ShapeDtypeStruct((SCG, H2), jnp.float32),
        ],
    )(counts, xw, b1, g1, be1, attW, attb, ctx, W2, b2)

    sw, scores = pl.pallas_call(
        _sent_body,
        out_shape=[
            jax.ShapeDtypeStruct((NF, NL, 1), jnp.float32),
            jax.ShapeDtypeStruct((NF, 1), jnp.float32),
        ],
    )(line_out, g2, be2, sattW, sattb, sctx, fcW, fcb)

    return (scores, wout, sw.reshape(NF, NL), sents)

# --- scband reference (transcript-rebuilt; emitter-appended) ---
"""Pipeline reference for scband-hierarchical-attention-network-63187558859127 (READ-ONLY COPY).

The authoritative reference and input builder live on the scoring server;
editing this copy changes nothing except your own understanding.
"""

import jax, jax.numpy as jnp
import numpy as np

N_FILES = 16
N_LINES = 64
S = 50          # max_seq_len == embed_dim (forced by module reshape)
VOCAB = 100000
EPG = 800       # edges per 50-node line graph
H1 = 64         # word_gcn_hidden_dim
H2 = 64         # sent_gcn_hidden_dim
A1 = 32         # word_att_dim
A2 = 32         # sent_att_dim


def _ln(x, g, b):
    m = x.mean(-1, keepdims=True)
    v = ((x - m) ** 2).mean(-1, keepdims=True)
    return (x - m) / jnp.sqrt(v + 1e-5) * g + b


def _gcn(x, src, dst, W, b, n):
    # PyG GCNConv: add self-loops, symmetric deg^{-1/2} normalization, scatter-add messages
    loops = jnp.arange(n)
    s = jnp.concatenate([src, loops])
    d = jnp.concatenate([dst, loops])
    deg = jnp.zeros((n,), x.dtype).at[d].add(1.0)
    dinv = jnp.where(deg > 0, 1.0 / jnp.sqrt(deg), 0.0)
    norm = dinv[s] * dinv[d]
    xw = x @ W
    out = jnp.zeros((n, W.shape[1]), x.dtype).at[d].add(norm[:, None] * xw[s])
    return out + b


def setup_inputs(seed: int = 0) -> dict:
    key = jax.random.key(seed)
    ks = jax.random.split(key, 16)
    def nrm(k, shape, sc=0.05):
        return jax.random.normal(k, shape, dtype=jnp.float32) * sc
    inp = {}
    inp["code_tensor"] = jax.random.randint(ks[0], (N_FILES, N_LINES, S), 0, VOCAB)
    inp["word_edge"] = jax.random.randint(ks[1], (N_FILES, N_LINES, 2, EPG), 0, S)
    inp["line_edge"] = jax.random.randint(ks[2], (N_FILES, 2, 256), 0, N_LINES)
    inp["emb"] = nrm(ks[3], (VOCAB, S), 1.0)
    inp["W1"] = nrm(ks[4], (S, H1)); inp["b1"] = jnp.zeros((H1,), jnp.float32)
    inp["g1"] = jnp.ones((H1,), jnp.float32); inp["be1"] = jnp.zeros((H1,), jnp.float32)
    inp["attW"] = nrm(ks[5], (H1, A1)); inp["attb"] = jnp.zeros((A1,), jnp.float32)
    inp["ctx"] = nrm(ks[6], (A1,))
    inp["W2"] = nrm(ks[7], (H1, H2)); inp["b2"] = jnp.zeros((H2,), jnp.float32)
    inp["g2"] = jnp.ones((H2,), jnp.float32); inp["be2"] = jnp.zeros((H2,), jnp.float32)
    inp["sattW"] = nrm(ks[8], (H2, A2)); inp["sattb"] = jnp.zeros((A2,), jnp.float32)
    inp["sctx"] = nrm(ks[9], (A2,))
    inp["fcW"] = nrm(ks[10], (H2, 1)); inp["fcb"] = jnp.zeros((1,), jnp.float32)
    return inp


def reference(code_tensor, word_edge, line_edge, emb, W1, b1, g1, be1, attW, attb, ctx,
              W2, b2, g2, be2, sattW, sattb, sctx, fcW, fcb):
    nf, nl, s = code_tensor.shape
    sc = nf * nl
    n = sc * s
    # packed_sents reshape (embed_dim == max_seq_len) then embedding lookup
    tokens = code_tensor.reshape(sc, s)
    x = emb[tokens]                       # [sc, s, s]
    xb = x.reshape(n, emb.shape[1])       # batched node features
    # Batch.from_data_list: offset each per-line edge_index by 50 * graph_idx
    edges = word_edge.reshape(sc, 2, -1)
    off = (jnp.arange(sc) * s)[:, None]
    src = (edges[:, 0, :] + off).reshape(-1)
    dst = (edges[:, 1, :] + off).reshape(-1)
    # word-level GCN + attention
    word_out = _gcn(xb, src, dst, W1, b1, n)          # [n, H1]
    normed = _ln(word_out, g1, be1)
    att = jnp.tanh(normed @ attW + attb) @ ctx        # [n]
    att = jnp.exp(att - att.max())
    att = att.reshape(sc, s)
    w = att / att.sum(1, keepdims=True)               # word attention weights
    wo = word_out.reshape(sc, s, -1)
    sents = wo * w[:, :, None]                        # [sc, s, H1]
    # sentence-level GCN over the same word graphs (dropout p=0 -> identity)
    sb = sents.reshape(n, -1)
    line_out = _gcn(sb, src, dst, W2, b2, n)          # [n, H2]
    line_out = line_out.reshape(sc, s, -1).sum(1)     # [sc, H2]
    normed2 = _ln(line_out, g2, be2)
    att2 = jnp.tanh(normed2 @ sattW + sattb) @ sctx
    att2 = jnp.exp(att2 - att2.max())
    att2 = att2.reshape(nf, sc // nf)
    sw = att2 / att2.sum(1, keepdims=True)            # sentence attention weights
    code = (line_out.reshape(nf, nl, -1) * sw[:, :, None]).sum(1)  # [nf, H2]
    scores = jax.nn.sigmoid(code @ fcW + fcb)         # [nf, 1]
    word_att = w.reshape(nf, nl, s)
    return (scores, word_att, sw, sents)

if __name__ == "__main__":
    import jax
    _d = setup_inputs()
    print(jax.jit(kernel)(*tuple(_d.values())))

</pallas_src>

<mosaic_0001>
#map = affine_map<(d0, d1) -> (0)>
#map1 = affine_map<(d0, d1) -> (0, 0)>
module attributes {stable_mosaic.version = 14 : i64} {
  func.func @k(%arg0: i32, %arg1: i32, %arg2: memref<1638400xi32, #tpu.memory_space<hbm>>, %arg3: memref<800x128xf32, #tpu.memory_space<hbm>>, %arg4: memref<51200x128xf32, #tpu.memory_space<hbm>>, %arg5: memref<25600xi32, #tpu.memory_space<vmem>>, %arg6: memref<800x128xf32, #tpu.memory_space<vmem>>) attributes {dimension_semantics = [#tpu.dimension_semantics<core_parallel>, #tpu.dimension_semantics<subcore_parallel>], iteration_bounds = array<i64: 2, 16>, scalar_prefetch = 0 : i64, scratch_operands = 2 : i64, tpu.core_type = #tpu.core_type<sc_vector_subcore>, window_params = [{transform_indices = #map}, {transform_indices = #map1}, {transform_indices = #map1}]} {
    %mul3A = arith.constant 2 : i32
    %mul3A_0 = arith.muli %arg1, %mul3A : i32
    %add3A = arith.addi %mul3A_0, %arg0 : i32
    %iota3A = tpu.iota {dimensions = array<i32: 0>} : vector<16xi32>
    %mul3A_1 = arith.constant 1600 : i32
    %mul3A_2 = vector.broadcast %mul3A_1 : i32 to vector<16xi32>
    %mul3A_3 = arith.muli %iota3A, %mul3A_2 : vector<16xi32>
    %mul3A_4 = arith.constant 50 : i32
    %mul3A_5 = vector.broadcast %mul3A_4 : i32 to vector<16xi32>
    %mul3A_6 = arith.muli %iota3A, %mul3A_5 : vector<16xi32>
    %broadcast_in_dim3A = arith.constant 1.000000e+00 : f32
    %broadcast_in_dim3A_7 = vector.broadcast %broadcast_in_dim3A : f32 to vector<16xf32>
    %broadcast_in_dim3A_8 = arith.constant 64 : i32
    %broadcast_in_dim3A_9 = vector.broadcast %broadcast_in_dim3A_8 : i32 to vector<16xi32>
    %mul3A_10 = arith.constant 2 : i32
    %mul3A_11 = arith.muli %add3A, %mul3A_10 : i32
    %add3A_12 = arith.constant 0 : i32
    %add3A_13 = arith.addi %mul3A_11, %add3A_12 : i32
    %mul3A_14 = arith.constant 25600 : i32
    %mul3A_15 = arith.muli %add3A_13, %mul3A_14 : i32
    "tpu.region"() ({
      %run_scoped3A = tpu.sem_alloc : memref<!tpu.dma_semaphore, #tpu.memory_space<semaphore_mem>>
      %dma_start3A = tpu.memref_slice %arg2[%mul3A_15] : memref<1638400xi32, #tpu.memory_space<hbm>> -> memref<25600xi32, #tpu.memory_space<hbm>>
      %dma_start3A_31 = tpu.memref_slice %arg2[%mul3A_15] : memref<1638400xi32, #tpu.memory_space<hbm>> -> memref<25600xi32, #tpu.memory_space<hbm>>
      tpu.enqueue_dma source(%dma_start3A_31 : memref<25600xi32, #tpu.memory_space<hbm>>) target(%arg5 : memref<25600xi32, #tpu.memory_space<vmem>>) target_semaphore(%run_scoped3A : memref<!tpu.dma_semaphore, #tpu.memory_space<semaphore_mem>>)
      %dma_wait3A = tpu.memref_slice %arg2[%mul3A_15] : memref<1638400xi32, #tpu.memory_space<hbm>> -> memref<25600xi32, #tpu.memory_space<hbm>>
      %dma_wait3A_32 = tpu.memref_slice %arg2[%mul3A_15] : memref<1638400xi32, #tpu.memory_space<hbm>> -> memref<25600xi32, #tpu.memory_space<hbm>>
      tpu.wait_dma2 semaphore(%run_scoped3A : memref<!tpu.dma_semaphore, #tpu.memory_space<semaphore_mem>>) src(%dma_wait3A_32 : memref<25600xi32, #tpu.memory_space<hbm>>) dst(%arg5 : memref<25600xi32, #tpu.memory_space<vmem>>)
      tpu.yield
    }) : () -> ()
    "tpu.region"() ({
      %run_scoped3A = tpu.sem_alloc : memref<!tpu.dma_semaphore, #tpu.memory_space<semaphore_mem>>
      tpu.enqueue_dma source(%arg3 : memref<800x128xf32, #tpu.memory_space<hbm>>) target(%arg6 : memref<800x128xf32, #tpu.memory_space<vmem>>) target_semaphore(%run_scoped3A : memref<!tpu.dma_semaphore, #tpu.memory_space<semaphore_mem>>)
      tpu.wait_dma2 semaphore(%run_scoped3A : memref<!tpu.dma_semaphore, #tpu.memory_space<semaphore_mem>>) src(%arg3 : memref<800x128xf32, #tpu.memory_space<hbm>>) dst(%arg6 : memref<800x128xf32, #tpu.memory_space<vmem>>)
      tpu.yield
    }) : () -> ()
    %parallel_loop3A = arith.constant 0 : i32
    %parallel_loop3A_16 = arith.constant 800 : i32
    %parallel_loop3A_17 = arith.constant 1 : i32
    scf.for %parallel_loop3A_31 = %parallel_loop3A to %parallel_loop3A_16 step %parallel_loop3A_17  : i32 {
      %parallel_loop3A_32 = vector.broadcast %parallel_loop3A_31 : i32 to vector<16xi32>
      %parallel_loop3A_33 = arith.addi %mul3A_3, %parallel_loop3A_32 : vector<16xi32>
      %parallel_loop3A_34 = tpu.vector_load_idx %arg5[%parallel_loop3A_33] : memref<25600xi32, #tpu.memory_space<vmem>>[vector<16xi32>], vector<16xi32>,
      %parallel_loop3A_35 = arith.constant 800 : i32
      %parallel_loop3A_36 = arith.addi %parallel_loop3A_35, %parallel_loop3A_31 : i32
      %parallel_loop3A_37 = vector.broadcast %parallel_loop3A_36 : i32 to vector<16xi32>
      %parallel_loop3A_38 = arith.addi %mul3A_3, %parallel_loop3A_37 : vector<16xi32>
      %parallel_loop3A_39 = tpu.vector_load_idx %arg5[%parallel_loop3A_38] : memref<25600xi32, #tpu.memory_space<vmem>>[vector<16xi32>], vector<16xi32>,
      %parallel_loop3A_40 = arith.addi %mul3A_6, %parallel_loop3A_34 : vector<16xi32>
      tpu.vector_store_idx %arg6[%parallel_loop3A_40, %parallel_loop3A_39], %broadcast_in_dim3A_7 {add = true} : memref<800x128xf32, #tpu.memory_space<vmem>>[vector<16xi32>, vector<16xi32>], vector<16xf32>,
      %parallel_loop3A_41 = arith.addi %mul3A_6, %parallel_loop3A_39 : vector<16xi32>
      tpu.vector_store_idx %arg6[%parallel_loop3A_41, %broadcast_in_dim3A_9], %broadcast_in_dim3A_7 {add = true} : memref<800x128xf32, #tpu.memory_space<vmem>>[vector<16xi32>, vector<16xi32>], vector<16xf32>,
    } {sc.loop_unroll_factor = 8 : i64, sc.parallel_access}
    %mul3A_18 = arith.constant 800 : i32
    %mul3A_19 = arith.muli %add3A_13, %mul3A_18 : i32
    "tpu.region"() ({
      %run_scoped3A = tpu.sem_alloc : memref<!tpu.dma_semaphore, #tpu.memory_space<semaphore_mem>>
      %dma_start3A = arith.constant 0 : i32
      %dma_start3A_31 = tpu.memref_slice %arg4[%mul3A_19, %dma_start3A] : memref<51200x128xf32, #tpu.memory_space<hbm>> -> memref<800x128xf32, #tpu.memory_space<hbm>>
      %dma_start3A_32 = arith.constant 0 : i32
      %dma_start3A_33 = tpu.memref_slice %arg4[%mul3A_19, %dma_start3A_32] : memref<51200x128xf32, #tpu.memory_space<hbm>> -> memref<800x128xf32, #tpu.memory_space<hbm>>
      tpu.enqueue_dma source(%arg6 : memref<800x128xf32, #tpu.memory_space<vmem>>) target(%dma_start3A_33 : memref<800x128xf32, #tpu.memory_space<hbm>>) target_semaphore(%run_scoped3A : memref<!tpu.dma_semaphore, #tpu.memory_space<semaphore_mem>>)
      %dma_wait3A = arith.constant 0 : i32
      %dma_wait3A_34 = tpu.memref_slice %arg4[%mul3A_19, %dma_wait3A] : memref<51200x128xf32, #tpu.memory_space<hbm>> -> memref<800x128xf32, #tpu.memory_space<hbm>>
      %dma_wait3A_35 = arith.constant 0 : i32
      %dma_wait3A_36 = tpu.memref_slice %arg4[%mul3A_19, %dma_wait3A_35] : memref<51200x128xf32, #tpu.memory_space<hbm>> -> memref<800x128xf32, #tpu.memory_space<hbm>>
      tpu.wait_dma2 semaphore(%run_scoped3A : memref<!tpu.dma_semaphore, #tpu.memory_space<semaphore_mem>>) src(%arg6 : memref<800x128xf32, #tpu.memory_space<vmem>>) dst(%dma_wait3A_36 : memref<800x128xf32, #tpu.memory_space<hbm>>)
      tpu.yield
    }) : () -> ()
    %mul3A_20 = arith.constant 2 : i32
    %mul3A_21 = arith.muli %add3A, %mul3A_20 : i32
    %add3A_22 = arith.constant 1 : i32
    %add3A_23 = arith.addi %mul3A_21, %add3A_22 : i32
    %mul3A_24 = arith.constant 25600 : i32
    %mul3A_25 = arith.muli %add3A_23, %mul3A_24 : i32
    "tpu.region"() ({
      %run_scoped3A = tpu.sem_alloc : memref<!tpu.dma_semaphore, #tpu.memory_space<semaphore_mem>>
      %dma_start3A = tpu.memref_slice %arg2[%mul3A_25] : memref<1638400xi32, #tpu.memory_space<hbm>> -> memref<25600xi32, #tpu.memory_space<hbm>>
      %dma_start3A_31 = tpu.memref_slice %arg2[%mul3A_25] : memref<1638400xi32, #tpu.memory_space<hbm>> -> memref<25600xi32, #tpu.memory_space<hbm>>
      tpu.enqueue_dma source(%dma_start3A_31 : memref<25600xi32, #tpu.memory_space<hbm>>) target(%arg5 : memref<25600xi32, #tpu.memory_space<vmem>>) target_semaphore(%run_scoped3A : memref<!tpu.dma_semaphore, #tpu.memory_space<semaphore_mem>>)
      %dma_wait3A = tpu.memref_slice %arg2[%mul3A_25] : memref<1638400xi32, #tpu.memory_space<hbm>> -> memref<25600xi32, #tpu.memory_space<hbm>>
      %dma_wait3A_32 = tpu.memref_slice %arg2[%mul3A_25] : memref<1638400xi32, #tpu.memory_space<hbm>> -> memref<25600xi32, #tpu.memory_space<hbm>>
      tpu.wait_dma2 semaphore(%run_scoped3A : memref<!tpu.dma_semaphore, #tpu.memory_space<semaphore_mem>>) src(%dma_wait3A_32 : memref<25600xi32, #tpu.memory_space<hbm>>) dst(%arg5 : memref<25600xi32, #tpu.memory_space<vmem>>)
      tpu.yield
    }) : () -> ()
    "tpu.region"() ({
      %run_scoped3A = tpu.sem_alloc : memref<!tpu.dma_semaphore, #tpu.memory_space<semaphore_mem>>
      tpu.enqueue_dma source(%arg3 : memref<800x128xf32, #tpu.memory_space<hbm>>) target(%arg6 : memref<800x128xf32, #tpu.memory_space<vmem>>) target_semaphore(%run_scoped3A : memref<!tpu.dma_semaphore, #tpu.memory_space<semaphore_mem>>)
      tpu.wait_dma2 semaphore(%run_scoped3A : memref<!tpu.dma_semaphore, #tpu.memory_space<semaphore_mem>>) src(%arg3 : memref<800x128xf32, #tpu.memory_space<hbm>>) dst(%arg6 : memref<800x128xf32, #tpu.memory_space<vmem>>)
      tpu.yield
    }) : () -> ()
    %parallel_loop3A_26 = arith.constant 0 : i32
    %parallel_loop3A_27 = arith.constant 800 : i32
    %parallel_loop3A_28 = arith.constant 1 : i32
    scf.for %parallel_loop3A_31 = %parallel_loop3A_26 to %parallel_loop3A_27 step %parallel_loop3A_28  : i32 {
      %parallel_loop3A_32 = vector.broadcast %parallel_loop3A_31 : i32 to vector<16xi32>
      %parallel_loop3A_33 = arith.addi %mul3A_3, %parallel_loop3A_32 : vector<16xi32>
      %parallel_loop3A_34 = tpu.vector_load_idx %arg5[%parallel_loop3A_33] : memref<25600xi32, #tpu.memory_space<vmem>>[vector<16xi32>], vector<16xi32>,
      %parallel_loop3A_35 = arith.constant 800 : i32
      %parallel_loop3A_36 = arith.addi %parallel_loop3A_35, %parallel_loop3A_31 : i32
      %parallel_loop3A_37 = vector.broadcast %parallel_loop3A_36 : i32 to vector<16xi32>
      %parallel_loop3A_38 = arith.addi %mul3A_3, %parallel_loop3A_37 : vector<16xi32>
      %parallel_loop3A_39 = tpu.vector_load_idx %arg5[%parallel_loop3A_38] : memref<25600xi32, #tpu.memory_space<vmem>>[vector<16xi32>], vector<16xi32>,
      %parallel_loop3A_40 = arith.addi %mul3A_6, %parallel_loop3A_34 : vector<16xi32>
      tpu.vector_store_idx %arg6[%parallel_loop3A_40, %parallel_loop3A_39], %broadcast_in_dim3A_7 {add = true} : memref<800x128xf32, #tpu.memory_space<vmem>>[vector<16xi32>, vector<16xi32>], vector<16xf32>,
      %parallel_loop3A_41 = arith.addi %mul3A_6, %parallel_loop3A_39 : vector<16xi32>
      tpu.vector_store_idx %arg6[%parallel_loop3A_41, %broadcast_in_dim3A_9], %broadcast_in_dim3A_7 {add = true} : memref<800x128xf32, #tpu.memory_space<vmem>>[vector<16xi32>, vector<16xi32>], vector<16xf32>,
    } {sc.loop_unroll_factor = 8 : i64, sc.parallel_access}
    %mul3A_29 = arith.constant 800 : i32
    %mul3A_30 = arith.muli %add3A_23, %mul3A_29 : i32
    "tpu.region"() ({
      %run_scoped3A = tpu.sem_alloc : memref<!tpu.dma_semaphore, #tpu.memory_space<semaphore_mem>>
      %dma_start3A = arith.constant 0 : i32
      %dma_start3A_31 = tpu.memref_slice %arg4[%mul3A_30, %dma_start3A] : memref<51200x128xf32, #tpu.memory_space<hbm>> -> memref<800x128xf32, #tpu.memory_space<hbm>>
      %dma_start3A_32 = arith.constant 0 : i32
      %dma_start3A_33 = tpu.memref_slice %arg4[%mul3A_30, %dma_start3A_32] : memref<51200x128xf32, #tpu.memory_space<hbm>> -> memref<800x128xf32, #tpu.memory_space<hbm>>
      tpu.enqueue_dma source(%arg6 : memref<800x128xf32, #tpu.memory_space<vmem>>) target(%dma_start3A_33 : memref<800x128xf32, #tpu.memory_space<hbm>>) target_semaphore(%run_scoped3A : memref<!tpu.dma_semaphore, #tpu.memory_space<semaphore_mem>>)
      %dma_wait3A = arith.constant 0 : i32
      %dma_wait3A_34 = tpu.memref_slice %arg4[%mul3A_30, %dma_wait3A] : memref<51200x128xf32, #tpu.memory_space<hbm>> -> memref<800x128xf32, #tpu.memory_space<hbm>>
      %dma_wait3A_35 = arith.constant 0 : i32
      %dma_wait3A_36 = tpu.memref_slice %arg4[%mul3A_30, %dma_wait3A_35] : memref<51200x128xf32, #tpu.memory_space<hbm>> -> memref<800x128xf32, #tpu.memory_space<hbm>>
      tpu.wait_dma2 semaphore(%run_scoped3A : memref<!tpu.dma_semaphore, #tpu.memory_space<semaphore_mem>>) src(%arg6 : memref<800x128xf32, #tpu.memory_space<vmem>>) dst(%dma_wait3A_36 : memref<800x128xf32, #tpu.memory_space<hbm>>)
      tpu.yield
    }) : () -> ()
    return
  }
}

#map = affine_map<(d0, d1) -> (0, 0)>
#map1 = affine_map<(d0, d1) -> (0)>
module attributes {stable_mosaic.version = 14 : i64} {
  func.func @k(%arg0: i32, %arg1: i32, %arg2: memref<100000x128xf32, #tpu.memory_space<hbm>>, %arg3: memref<51200xi32, #tpu.memory_space<hbm>>, %arg4: memref<51200x128xf32, #tpu.memory_space<hbm>>, %arg5: memref<1600xi32, #tpu.memory_space<vmem>>, %arg6: memref<800x128xf32, #tpu.memory_space<vmem>>, %arg7: memref<!tpu.dma_semaphore, #tpu.memory_space<semaphore_mem>>) attributes {dimension_semantics = [#tpu.dimension_semantics<core_parallel>, #tpu.dimension_semantics<subcore_parallel>], iteration_bounds = array<i64: 2, 16>, scalar_prefetch = 0 : i64, scratch_operands = 3 : i64, tpu.core_type = #tpu.core_type<sc_vector_subcore>, window_params = [{transform_indices = #map}, {transform_indices = #map1}, {transform_indices = #map}]} {
    %mul3A = arith.constant 2 : i32
    %mul3A_0 = arith.muli %arg1, %mul3A : i32
    %add3A = arith.addi %mul3A_0, %arg0 : i32
    %mul3A_1 = arith.constant 1600 : i32
    %mul3A_2 = arith.muli %add3A, %mul3A_1 : i32
    "tpu.region"() ({
      %run_scoped3A = tpu.sem_alloc : memref<!tpu.dma_semaphore, #tpu.memory_space<semaphore_mem>>
      %dma_start3A_25 = tpu.memref_slice %arg3[%mul3A_2] : memref<51200xi32, #tpu.memory_space<hbm>> -> memref<1600xi32, #tpu.memory_space<hbm>>
      %dma_start3A_26 = tpu.memref_slice %arg3[%mul3A_2] : memref<51200xi32, #tpu.memory_space<hbm>> -> memref<1600xi32, #tpu.memory_space<hbm>>
      tpu.enqueue_dma source(%dma_start3A_26 : memref<1600xi32, #tpu.memory_space<hbm>>) target(%arg5 : memref<1600xi32, #tpu.memory_space<vmem>>) target_semaphore(%run_scoped3A : memref<!tpu.dma_semaphore, #tpu.memory_space<semaphore_mem>>)
      %dma_wait3A_27 = tpu.memref_slice %arg3[%mul3A_2] : memref<51200xi32, #tpu.memory_space<hbm>> -> memref<1600xi32, #tpu.memory_space<hbm>>
      %dma_wait3A_28 = tpu.memref_slice %arg3[%mul3A_2] : memref<51200xi32, #tpu.memory_space<hbm>> -> memref<1600xi32, #tpu.memory_space<hbm>>
      tpu.wait_dma2 semaphore(%run_scoped3A : memref<!tpu.dma_semaphore, #tpu.memory_space<semaphore_mem>>) src(%dma_wait3A_28 : memref<1600xi32, #tpu.memory_space<hbm>>) dst(%arg5 : memref<1600xi32, #tpu.memory_space<vmem>>)
      tpu.yield
    }) : () -> ()
    %dma_start3A = arith.constant 0 : i32
    %dma_start3A_3 = tpu.memref_slice %arg5[%dma_start3A] : memref<1600xi32, #tpu.memory_space<vmem>> -> memref<800xi32, #tpu.memory_space<vmem>>
    %dma_start3A_4 = arith.constant 0 : i32
    %dma_start3A_5 = arith.constant 0 : i32
    %dma_start3A_6 = tpu.memref_slice %arg2[%dma_start3A_4, %dma_start3A_5] : memref<100000x128xf32, #tpu.memory_space<hbm>> -> memref<100000x128xf32, #tpu.memory_space<hbm>>
    tpu.enqueue_indirect_dma source(%dma_start3A_6 : memref<100000x128xf32, #tpu.memory_space<hbm>>) target(%arg6 : memref<800x128xf32, #tpu.memory_space<vmem>>) offsets(%dma_start3A_3 : memref<800xi32, #tpu.memory_space<vmem>>) semaphore(%arg7 : memref<!tpu.dma_semaphore, #tpu.memory_space<semaphore_mem>>)
    %dma_wait3A = arith.constant 0 : i32
    %dma_wait3A_7 = tpu.memref_slice %arg5[%dma_wait3A] : memref<1600xi32, #tpu.memory_space<vmem>> -> memref<800xi32, #tpu.memory_space<vmem>>
    %dma_wait3A_8 = arith.constant 0 : i32
    %dma_wait3A_9 = arith.constant 0 : i32
    %dma_wait3A_10 = tpu.memref_slice %arg2[%dma_wait3A_8, %dma_wait3A_9] : memref<100000x128xf32, #tpu.memory_space<hbm>> -> memref<100000x128xf32, #tpu.memory_space<hbm>>
    tpu.wait_indirect_dma semaphore(%arg7 : memref<!tpu.dma_semaphore, #tpu.memory_space<semaphore_mem>>) src(%dma_wait3A_10 : memref<100000x128xf32, #tpu.memory_space<hbm>>) dst(%arg6 : memref<800x128xf32, #tpu.memory_space<vmem>>)
    %add3A_11 = arith.constant 0 : i32
    %add3A_12 = arith.addi %mul3A_2, %add3A_11 : i32
    "tpu.region"() ({
      %run_scoped3A = tpu.sem_alloc : memref<!tpu.dma_semaphore, #tpu.memory_space<semaphore_mem>>
      %dma_start3A_25 = arith.constant 0 : i32
      %dma_start3A_26 = tpu.memref_slice %arg4[%add3A_12, %dma_start3A_25] : memref<51200x128xf32, #tpu.memory_space<hbm>> -> memref<800x128xf32, #tpu.memory_space<hbm>>
      %dma_start3A_27 = arith.constant 0 : i32
      %dma_start3A_28 = tpu.memref_slice %arg4[%add3A_12, %dma_start3A_27] : memref<51200x128xf32, #tpu.memory_space<hbm>> -> memref<800x128xf32, #tpu.memory_space<hbm>>
      tpu.enqueue_dma source(%arg6 : memref<800x128xf32, #tpu.memory_space<vmem>>) target(%dma_start3A_28 : memref<800x128xf32, #tpu.memory_space<hbm>>) target_semaphore(%run_scoped3A : memref<!tpu.dma_semaphore, #tpu.memory_space<semaphore_mem>>)
      %dma_wait3A_29 = arith.constant 0 : i32
      %dma_wait3A_30 = tpu.memref_slice %arg4[%add3A_12, %dma_wait3A_29] : memref<51200x128xf32, #tpu.memory_space<hbm>> -> memref<800x128xf32, #tpu.memory_space<hbm>>
      %dma_wait3A_31 = arith.constant 0 : i32
      %dma_wait3A_32 = tpu.memref_slice %arg4[%add3A_12, %dma_wait3A_31] : memref<51200x128xf32, #tpu.memory_space<hbm>> -> memref<800x128xf32, #tpu.memory_space<hbm>>
      tpu.wait_dma2 semaphore(%run_scoped3A : memref<!tpu.dma_semaphore, #tpu.memory_space<semaphore_mem>>) src(%arg6 : memref<800x128xf32, #tpu.memory_space<vmem>>) dst(%dma_wait3A_32 : memref<800x128xf32, #tpu.memory_space<hbm>>)
      tpu.yield
    }) : () -> ()
    %dma_start3A_13 = arith.constant 800 : i32
    %dma_start3A_14 = tpu.memref_slice %arg5[%dma_start3A_13] : memref<1600xi32, #tpu.memory_space<vmem>> -> memref<800xi32, #tpu.memory_space<vmem>>
    %dma_start3A_15 = arith.constant 0 : i32
    %dma_start3A_16 = arith.constant 0 : i32
    %dma_start3A_17 = tpu.memref_slice %arg2[%dma_start3A_15, %dma_start3A_16] : memref<100000x128xf32, #tpu.memory_space<hbm>> -> memref<100000x128xf32, #tpu.memory_space<hbm>>
    tpu.enqueue_indirect_dma source(%dma_start3A_17 : memref<100000x128xf32, #tpu.memory_space<hbm>>) target(%arg6 : memref<800x128xf32, #tpu.memory_space<vmem>>) offsets(%dma_start3A_14 : memref<800xi32, #tpu.memory_space<vmem>>) semaphore(%arg7 : memref<!tpu.dma_semaphore, #tpu.memory_space<semaphore_mem>>)
    %dma_wait3A_18 = arith.constant 800 : i32
    %dma_wait3A_19 = tpu.memref_slice %arg5[%dma_wait3A_18] : memref<1600xi32, #tpu.memory_space<vmem>> -> memref<800xi32, #tpu.memory_space<vmem>>
    %dma_wait3A_20 = arith.constant 0 : i32
    %dma_wait3A_21 = arith.constant 0 : i32
    %dma_wait3A_22 = tpu.memref_slice %arg2[%dma_wait3A_20, %dma_wait3A_21] : memref<100000x128xf32, #tpu.memory_space<hbm>> -> memref<100000x128xf32, #tpu.memory_space<hbm>>
    tpu.wait_indirect_dma semaphore(%arg7 : memref<!tpu.dma_semaphore, #tpu.memory_space<semaphore_mem>>) src(%dma_wait3A_22 : memref<100000x128xf32, #tpu.memory_space<hbm>>) dst(%arg6 : memref<800x128xf32, #tpu.memory_space<vmem>>)
    %add3A_23 = arith.constant 800 : i32
    %add3A_24 = arith.addi %mul3A_2, %add3A_23 : i32
    "tpu.region"() ({
      %run_scoped3A = tpu.sem_alloc : memref<!tpu.dma_semaphore, #tpu.memory_space<semaphore_mem>>
      %dma_start3A_25 = arith.constant 0 : i32
      %dma_start3A_26 = tpu.memref_slice %arg4[%add3A_24, %dma_start3A_25] : memref<51200x128xf32, #tpu.memory_space<hbm>> -> memref<800x128xf32, #tpu.memory_space<hbm>>
      %dma_start3A_27 = arith.constant 0 : i32
      %dma_start3A_28 = tpu.memref_slice %arg4[%add3A_24, %dma_start3A_27] : memref<51200x128xf32, #tpu.memory_space<hbm>> -> memref<800x128xf32, #tpu.memory_space<hbm>>
      tpu.enqueue_dma source(%arg6 : memref<800x128xf32, #tpu.memory_space<vmem>>) target(%dma_start3A_28 : memref<800x128xf32, #tpu.memory_space<hbm>>) target_semaphore(%run_scoped3A : memref<!tpu.dma_semaphore, #tpu.memory_space<semaphore_mem>>)
      %dma_wait3A_29 = arith.constant 0 : i32
      %dma_wait3A_30 = tpu.memref_slice %arg4[%add3A_24, %dma_wait3A_29] : memref<51200x128xf32, #tpu.memory_space<hbm>> -> memref<800x128xf32, #tpu.memory_space<hbm>>
      %dma_wait3A_31 = arith.constant 0 : i32
      %dma_wait3A_32 = tpu.memref_slice %arg4[%add3A_24, %dma_wait3A_31] : memref<51200x128xf32, #tpu.memory_space<hbm>> -> memref<800x128xf32, #tpu.memory_space<hbm>>
      tpu.wait_dma2 semaphore(%run_scoped3A : memref<!tpu.dma_semaphore, #tpu.memory_space<semaphore_mem>>) src(%arg6 : memref<800x128xf32, #tpu.memory_space<vmem>>) dst(%dma_wait3A_32 : memref<800x128xf32, #tpu.memory_space<hbm>>)
      tpu.yield
    }) : () -> ()
    return
  }
}

module attributes {stable_mosaic.version = 14 : i64} {
  func.func @_embw_body(%arg0: i32, %arg1: memref<50x8192xf32, #tpu.memory_space<vmem>>, %arg2: memref<50x64xf32, #tpu.memory_space<vmem>>, %arg3: memref<8192x128xf32, #tpu.memory_space<vmem>>) attributes {dimension_semantics = [#tpu.dimension_semantics<arbitrary>], iteration_bounds = array<i64: 13>, scalar_prefetch = 0 : i64, scratch_operands = 0 : i64, tpu.core_type = #tpu.core_type<tc>, window_params = [{transform_indices = @transform_0, window_bounds = array<i64: 50, 8192>}, {pipeline_mode = #tpu.pipeline_mode<synchronous>, transform_indices = @transform_1, window_bounds = array<i64: 50, 64>}, {transform_indices = @transform_2, window_bounds = array<i64: 8192, 128>}]} {
    %get3A = arith.constant 0 : index
    %get3A_0 = arith.constant 0 : index
    %get3A_1 = vector.load %arg1[%get3A, %get3A_0] : memref<50x8192xf32, #tpu.memory_space<vmem>>, vector<50x8192xf32>
    %get3A_2 = arith.constant 0 : index
    %get3A_3 = arith.constant 0 : index
    %get3A_4 = vector.load %arg2[%get3A_2, %get3A_3] : memref<50x64xf32, #tpu.memory_space<vmem>>, vector<50x64xf32>
    %dot_general3A = arith.constant dense<0.000000e+00> : vector<8192x64xf32>
    %dot_general3A_5 = tpu.matmul %get3A_1, %get3A_4, %dot_general3A {dimension_numbers = #tpu.dot_dimension_numbers<[0], [0], [1], [1], [0, 1, 1, 1], [], []>, transpose_lhs_hint = true} : vector<50x8192xf32>, vector<50x64xf32>, vector<8192x64xf32> -> vector<8192x64xf32>
    %swap3A = arith.constant 0 : index
    %swap3A_6 = arith.constant 0 : index
    %swap3A_7 = vector.load %arg3[%swap3A, %swap3A_6] : memref<8192x128xf32, #tpu.memory_space<vmem>>, vector<8192x64xf32>
    tpu.vector_store %arg3[%swap3A, %swap3A_6], %dot_general3A_5 {strides = array<i32>} : memref<8192x128xf32, #tpu.memory_space<vmem>>, vector<8192x64xf32>,
    %broadcast_in_dim3A = arith.constant 0.000000e+00 : f32
    %broadcast_in_dim3A_8 = vector.broadcast %broadcast_in_dim3A : f32 to vector<8192x64xf32>
    %swap3A_9 = arith.constant 0 : index
    %swap3A_10 = arith.constant 64 : index
    %swap3A_11 = vector.load %arg3[%swap3A_9, %swap3A_10] : memref<8192x128xf32, #tpu.memory_space<vmem>>, vector<8192x64xf32>
    tpu.vector_store %arg3[%swap3A_9, %swap3A_10], %broadcast_in_dim3A_8 {strides = array<i32>} : memref<8192x128xf32, #tpu.memory_space<vmem>>, vector<8192x64xf32>,
    return
  }
  func.func @transform_0(%arg0: i32) -> (i32, i32) {
    %c0_i32 = arith.constant 0 : i32
    %c0_i32_0 = arith.constant 0 : i32
    return %c0_i32, %arg0 : i32, i32
  }
  func.func @transform_1(%arg0: i32) -> (i32, i32) {
    %c0_i32 = arith.constant 0 : i32
    %c0_i32_0 = arith.constant 0 : i32
    %c0_i32_1 = arith.constant 0 : i32
    return %c0_i32, %c0_i32_0 : i32, i32
  }
  func.func @transform_2(%arg0: i32) -> (i32, i32) {
    %c0_i32 = arith.constant 0 : i32
    %c0_i32_0 = arith.constant 0 : i32
    return %arg0, %c0_i32 : i32, i32
  }
}

module attributes {stable_mosaic.version = 14 : i64} {
  func.func @_word_body(%arg0: i32, %arg1: memref<800x128xf32, #tpu.memory_space<vmem>>, %arg2: memref<800x128xf32, #tpu.memory_space<vmem>>, %arg3: memref<64xf32, #tpu.memory_space<vmem>>, %arg4: memref<64xf32, #tpu.memory_space<vmem>>, %arg5: memref<64xf32, #tpu.memory_space<vmem>>, %arg6: memref<64x32xf32, #tpu.memory_space<vmem>>, %arg7: memref<32xf32, #tpu.memory_space<vmem>>, %arg8: memref<32xf32, #tpu.memory_space<vmem>>, %arg9: memref<64x64xf32, #tpu.memory_space<vmem>>, %arg10: memref<64xf32, #tpu.memory_space<vmem>>, %arg11: memref<1x16x50xf32, #tpu.memory_space<vmem>>, %arg12: memref<16x50x64xf32, #tpu.memory_space<vmem>>, %arg13: memref<16x64xf32, #tpu.memory_space<vmem>>) attributes {dimension_semantics = [#tpu.dimension_semantics<arbitrary>], iteration_bounds = array<i64: 64>, scalar_prefetch = 0 : i64, scratch_operands = 0 : i64, tpu.core_type = #tpu.core_type<tc>, window_params = [{transform_indices = @transform_0, window_bounds = array<i64: 800, 128>}, {transform_indices = @transform_1, window_bounds = array<i64: 800, 128>}, {pipeline_mode = #tpu.pipeline_mode<synchronous>, transform_indices = @transform_2, window_bounds = array<i64: 64>}, {pipeline_mode = #tpu.pipeline_mode<synchronous>, transform_indices = @transform_3, window_bounds = array<i64: 64>}, {pipeline_mode = #tpu.pipeline_mode<synchronous>, transform_indices = @transform_4, window_bounds = array<i64: 64>}, {pipeline_mode = #tpu.pipeline_mode<synchronous>, transform_indices = @transform_5, window_bounds = array<i64: 64, 32>}, {pipeline_mode = #tpu.pipeline_mode<synchronous>, transform_indices = @transform_6, window_bounds = array<i64: 32>}, {pipeline_mode = #tpu.pipeline_mode<synchronous>, transform_indices = @transform_7, window_bounds = array<i64: 32>}, {pipeline_mode = #tpu.pipeline_mode<synchronous>, transform_indices = @transform_8, window_bounds = array<i64: 64, 64>}, {pipeline_mode = #tpu.pipeline_mode<synchronous>, transform_indices = @transform_9, window_bounds = array<i64: 64>}, {transform_indices = @transform_10, window_bounds = array<i64: 1, 16, 50>}, {transform_indices = @transform_11, window_bounds = array<i64: 16, 50, 64>}, {transform_indices = @transform_12, window_bounds = array<i64: 16, 64>}]} {
    %get3A = arith.constant 0 : index
    %get3A_0 = arith.constant 0 : index
    %get3A_1 = vector.load %arg1[%get3A, %get3A_0] : memref<800x128xf32, #tpu.memory_space<vmem>>, vector<800x128xf32>
    %get3A_2 = arith.constant 0 : index
    %get3A_3 = arith.constant 0 : index
    %get3A_4 = vector.load %arg2[%get3A_2, %get3A_3] : memref<800x128xf32, #tpu.memory_space<vmem>>, vector<800x64xf32>
    %get3A_5 = arith.constant 0 : index
    %get3A_6 = arith.constant 64 : index
    %get3A_7 = vector.load %arg1[%get3A_5, %get3A_6] : memref<800x128xf32, #tpu.memory_space<vmem>>, vector<800x1xf32>
    %add3A = arith.constant 1.000000e+00 : f32
    %add3A_8 = vector.broadcast %add3A : f32 to vector<800x1xf32>
    %add3A_9 = arith.addf %get3A_7, %add3A_8 : vector<800x1xf32>
    %rsqrt3A = math.rsqrt %add3A_9 : vector<800x1xf32>
    %reshape3A = vector.shape_cast %rsqrt3A : vector<800x1xf32> to vector<16x50x1xf32>
    %reshape3A_10 = vector.shape_cast %get3A_1 : vector<800x128xf32> to vector<16x50x128xf32>
    %reduce_sum3A = arith.constant dense<0.000000e+00> : vector<16x128xf32>
    %reduce_sum3A_11 = vector.multi_reduction <add>, %reshape3A_10, %reduce_sum3A [1] : vector<16x50x128xf32> to vector<16x128xf32>
    %broadcast_in_dim3A = vector.shape_cast %reduce_sum3A_11 : vector<16x128xf32> to vector<16x1x128xf32>
    %add3A_12 = arith.constant 1.000000e+00 : f32
    %add3A_13 = vector.broadcast %add3A_12 : f32 to vector<16x1x128xf32>
    %add3A_14 = arith.addf %broadcast_in_dim3A, %add3A_13 : vector<16x1x128xf32>
    %iota3A = tpu.iota {dimensions = array<i32: 2>} : vector<1x1x128xi32>
    %ne3A = arith.constant 64 : i32
    %ne3A_15 = vector.broadcast %ne3A : i32 to vector<1x1x128xi32>
    %ne3A_16 = arith.cmpi ne, %iota3A, %ne3A_15 : vector<1x1x128xi32>
    %convert_element_type3A = arith.extui %ne3A_16 : vector<1x1x128xi1> to vector<1x1x128xi32>
    %convert_element_type3A_17 = arith.sitofp %convert_element_type3A : vector<1x1x128xi32> to vector<1x1x128xf32>
    %rsqrt3A_18 = math.rsqrt %add3A_14 : vector<16x1x128xf32>
    %mul3A = vector.broadcast %convert_element_type3A_17 : vector<1x1x128xf32> to vector<16x1x128xf32>
    %mul3A_19 = arith.mulf %rsqrt3A_18, %mul3A : vector<16x1x128xf32>
    %reshape3A_20 = vector.shape_cast %get3A_4 : vector<800x64xf32> to vector<16x50x64xf32>
    %mul3A_21 = vector.broadcast %reshape3A : vector<16x50x1xf32> to vector<16x50x64xf32>
    %mul3A_22 = arith.mulf %reshape3A_20, %mul3A_21 : vector<16x50x64xf32>
    %dot_general3A = arith.constant dense<0.000000e+00> : vector<16x128x64xf32>
    %dot_general3A_23 = tpu.matmul %reshape3A_10, %mul3A_22, %dot_general3A {dimension_numbers = #tpu.dot_dimension_numbers<[1], [1], [2], [2], [0, 0, 0, 2, 1, 2], [0], [0]>, transpose_lhs_hint = false} : vector<16x50x128xf32>, vector<16x50x64xf32>, vector<16x128x64xf32> -> vector<16x128x64xf32>
    %slice3A = vector.extract_strided_slice %dot_general3A_23 {offsets = [0, 0, 0], sizes = [16, 50, 64], strides = [1, 1, 1]} : vector<16x128x64xf32> to vector<16x50x64xf32>
    %add3A_24 = arith.addf %slice3A, %mul3A_22 : vector<16x50x64xf32>
    %mul3A_25 = vector.broadcast %reshape3A : vector<16x50x1xf32> to vector<16x50x64xf32>
    %mul3A_26 = arith.mulf %add3A_24, %mul3A_25 : vector<16x50x64xf32>
    %get3A_27 = arith.constant 0 : index
    %get3A_28 = vector.load %arg3[%get3A_27] : memref<64xf32, #tpu.memory_space<vmem>>, vector<64xf32>
    %broadcast_in_dim3A_29 = vector.shape_cast %get3A_28 : vector<64xf32> to vector<1x1x64xf32>
    %add3A_30 = vector.broadcast %broadcast_in_dim3A_29 : vector<1x1x64xf32> to vector<16x50x64xf32>
    %add3A_31 = arith.addf %mul3A_26, %add3A_30 : vector<16x50x64xf32>
    %reduce_sum3A_32 = arith.constant dense<0.000000e+00> : vector<16x50xf32>
    %reduce_sum3A_33 = vector.multi_reduction <add>, %add3A_31, %reduce_sum3A_32 [2] : vector<16x50x64xf32> to vector<16x50xf32>
    %broadcast_in_dim3A_34 = vector.shape_cast %reduce_sum3A_33 : vector<16x50xf32> to vector<16x50x1xf32>
    %mul3A_35 = arith.constant 1.562500e-02 : f32
    %mul3A_36 = vector.broadcast %mul3A_35 : f32 to vector<16x50x1xf32>
    %mul3A_37 = arith.mulf %broadcast_in_dim3A_34, %mul3A_36 : vector<16x50x1xf32>
    %mul3A_38 = arith.mulf %add3A_31, %add3A_31 : vector<16x50x64xf32>
    %reduce_sum3A_39 = arith.constant dense<0.000000e+00> : vector<16x50xf32>
    %reduce_sum3A_40 = vector.multi_reduction <add>, %mul3A_38, %reduce_sum3A_39 [2] : vector<16x50x64xf32> to vector<16x50xf32>
    %broadcast_in_dim3A_41 = vector.shape_cast %reduce_sum3A_40 : vector<16x50xf32> to vector<16x50x1xf32>
    %mul3A_42 = arith.constant 1.562500e-02 : f32
    %mul3A_43 = vector.broadcast %mul3A_42 : f32 to vector<16x50x1xf32>
    %mul3A_44 = arith.mulf %broadcast_in_dim3A_41, %mul3A_43 : vector<16x50x1xf32>
    %mul3A_45 = arith.mulf %mul3A_37, %mul3A_37 : vector<16x50x1xf32>
    %sub3A = arith.subf %mul3A_44, %mul3A_45 : vector<16x50x1xf32>
    %sub3A_46 = vector.broadcast %mul3A_37 : vector<16x50x1xf32> to vector<16x50x64xf32>
    %sub3A_47 = arith.subf %add3A_31, %sub3A_46 : vector<16x50x64xf32>
    %add3A_48 = arith.constant 9.99999974E-6 : f32
    %add3A_49 = vector.broadcast %add3A_48 : f32 to vector<16x50x1xf32>
    %add3A_50 = arith.addf %sub3A, %add3A_49 : vector<16x50x1xf32>
    %rsqrt3A_51 = math.rsqrt %add3A_50 : vector<16x50x1xf32>
    %mul3A_52 = vector.broadcast %rsqrt3A_51 : vector<16x50x1xf32> to vector<16x50x64xf32>
    %mul3A_53 = arith.mulf %sub3A_47, %mul3A_52 : vector<16x50x64xf32>
    %get3A_54 = arith.constant 0 : index
    %get3A_55 = vector.load %arg4[%get3A_54] : memref<64xf32, #tpu.memory_space<vmem>>, vector<64xf32>
    %broadcast_in_dim3A_56 = vector.shape_cast %get3A_55 : vector<64xf32> to vector<1x1x64xf32>
    %mul3A_57 = vector.broadcast %broadcast_in_dim3A_56 : vector<1x1x64xf32> to vector<16x50x64xf32>
    %mul3A_58 = arith.mulf %mul3A_53, %mul3A_57 : vector<16x50x64xf32>
    %get3A_59 = arith.constant 0 : index
    %get3A_60 = vector.load %arg5[%get3A_59] : memref<64xf32, #tpu.memory_space<vmem>>, vector<64xf32>
    %broadcast_in_dim3A_61 = vector.shape_cast %get3A_60 : vector<64xf32> to vector<1x1x64xf32>
    %add3A_62 = vector.broadcast %broadcast_in_dim3A_61 : vector<1x1x64xf32> to vector<16x50x64xf32>
    %add3A_63 = arith.addf %mul3A_58, %add3A_62 : vector<16x50x64xf32>
    %reshape3A_64 = vector.shape_cast %add3A_63 : vector<16x50x64xf32> to vector<800x64xf32>
    %get3A_65 = arith.constant 0 : index
    %get3A_66 = arith.constant 0 : index
    %get3A_67 = vector.load %arg6[%get3A_65, %get3A_66] : memref<64x32xf32, #tpu.memory_space<vmem>>, vector<64x32xf32>
    %dot_general3A_68 = arith.constant dense<0.000000e+00> : vector<800x32xf32>
    %dot_general3A_69 = tpu.matmul %reshape3A_64, %get3A_67, %dot_general3A_68 {dimension_numbers = #tpu.dot_dimension_numbers<[1], [0], [0], [1], [0, 0, 1, 1], [], []>, transpose_lhs_hint = false} : vector<800x64xf32>, vector<64x32xf32>, vector<800x32xf32> -> vector<800x32xf32>
    %get3A_70 = arith.constant 0 : index
    %get3A_71 = vector.load %arg7[%get3A_70] : memref<32xf32, #tpu.memory_space<vmem>>, vector<32xf32>
    %broadcast_in_dim3A_72 = vector.shape_cast %get3A_71 : vector<32xf32> to vector<1x32xf32>
    %add3A_73 = vector.broadcast %broadcast_in_dim3A_72 : vector<1x32xf32> to vector<800x32xf32>
    %add3A_74 = arith.addf %dot_general3A_69, %add3A_73 : vector<800x32xf32>
    %tanh3A = math.tanh %add3A_74 : vector<800x32xf32>
    %reshape3A_75 = vector.shape_cast %tanh3A : vector<800x32xf32> to vector<16x50x32xf32>
    %get3A_76 = arith.constant 0 : index
    %get3A_77 = vector.load %arg8[%get3A_76] : memref<32xf32, #tpu.memory_space<vmem>>, vector<32xf32>
    %broadcast_in_dim3A_78 = vector.shape_cast %get3A_77 : vector<32xf32> to vector<1x1x32xf32>
    %mul3A_79 = vector.broadcast %broadcast_in_dim3A_78 : vector<1x1x32xf32> to vector<16x50x32xf32>
    %mul3A_80 = arith.mulf %reshape3A_75, %mul3A_79 : vector<16x50x32xf32>
    %reduce_sum3A_81 = arith.constant dense<0.000000e+00> : vector<16x50xf32>
    %reduce_sum3A_82 = vector.multi_reduction <add>, %mul3A_80, %reduce_sum3A_81 [2] : vector<16x50x32xf32> to vector<16x50xf32>
    %broadcast_in_dim3A_83 = vector.shape_cast %reduce_sum3A_82 : vector<16x50xf32> to vector<16x50x1xf32>
    %reduce_max3A = arith.constant dense<0xFF800000> : vector<16x1xf32>
    %reduce_max3A_84 = vector.multi_reduction <maximumf>, %broadcast_in_dim3A_83, %reduce_max3A [1] : vector<16x50x1xf32> to vector<16x1xf32>
    %broadcast_in_dim3A_85 = vector.shape_cast %reduce_max3A_84 : vector<16x1xf32> to vector<16x1x1xf32>
    %sub3A_86 = vector.broadcast %broadcast_in_dim3A_85 : vector<16x1x1xf32> to vector<16x50x1xf32>
    %sub3A_87 = arith.subf %broadcast_in_dim3A_83, %sub3A_86 : vector<16x50x1xf32>
    %exp3A = math.exp %sub3A_87 : vector<16x50x1xf32>
    %reduce_sum3A_88 = arith.constant dense<0.000000e+00> : vector<16x1xf32>
    %reduce_sum3A_89 = vector.multi_reduction <add>, %exp3A, %reduce_sum3A_88 [1] : vector<16x50x1xf32> to vector<16x1xf32>
    %broadcast_in_dim3A_90 = vector.shape_cast %reduce_sum3A_89 : vector<16x1xf32> to vector<16x1x1xf32>
    %div3A = vector.broadcast %broadcast_in_dim3A_90 : vector<16x1x1xf32> to vector<16x50x1xf32>
    %div3A_91 = arith.divf %exp3A, %div3A : vector<16x50x1xf32>
    %transpose3A = tpu.transpose %div3A_91, [0, 2, 1] : vector<16x50x1xf32> -> vector<16x1x50xf32>
    %reshape3A_92 = vector.shape_cast %transpose3A : vector<16x1x50xf32> to vector<1x16x50xf32>
    %swap3A = arith.constant 0 : index
    %swap3A_93 = arith.constant 0 : index
    %swap3A_94 = arith.constant 0 : index
    %swap3A_95 = vector.load %arg11[%swap3A, %swap3A_93, %swap3A_94] : memref<1x16x50xf32, #tpu.memory_space<vmem>>, vector<1x16x50xf32>
    tpu.vector_store %arg11[%swap3A, %swap3A_93, %swap3A_94], %reshape3A_92 {strides = array<i32>} : memref<1x16x50xf32, #tpu.memory_space<vmem>>, vector<1x16x50xf32>,
    %mul3A_96 = vector.broadcast %div3A_91 : vector<16x50x1xf32> to vector<16x50x64xf32>
    %mul3A_97 = arith.mulf %add3A_31, %mul3A_96 : vector<16x50x64xf32>
    %swap3A_98 = arith.constant 0 : index
    %swap3A_99 = arith.constant 0 : index
    %swap3A_100 = arith.constant 0 : index
    %swap3A_101 = vector.load %arg12[%swap3A_98, %swap3A_99, %swap3A_100] : memref<16x50x64xf32, #tpu.memory_space<vmem>>, vector<16x50x64xf32>
    tpu.vector_store %arg12[%swap3A_98, %swap3A_99, %swap3A_100], %mul3A_97 {strides = array<i32>} : memref<16x50x64xf32, #tpu.memory_space<vmem>>, vector<16x50x64xf32>,
    %mul3A_102 = vector.broadcast %mul3A_19 : vector<16x1x128xf32> to vector<16x50x128xf32>
    %mul3A_103 = arith.mulf %reshape3A_10, %mul3A_102 : vector<16x50x128xf32>
    %reduce_sum3A_104 = arith.constant dense<0.000000e+00> : vector<16x50xf32>
    %reduce_sum3A_105 = vector.multi_reduction <add>, %mul3A_103, %reduce_sum3A_104 [2] : vector<16x50x128xf32> to vector<16x50xf32>
    %broadcast_in_dim3A_106 = vector.shape_cast %reduce_sum3A_105 : vector<16x50xf32> to vector<16x50x1xf32>
    %add3A_107 = arith.addf %broadcast_in_dim3A_106, %reshape3A : vector<16x50x1xf32>
    %mul3A_108 = arith.mulf %add3A_107, %reshape3A : vector<16x50x1xf32>
    %mul3A_109 = vector.broadcast %mul3A_108 : vector<16x50x1xf32> to vector<16x50x64xf32>
    %mul3A_110 = arith.mulf %mul3A_97, %mul3A_109 : vector<16x50x64xf32>
    %reduce_sum3A_111 = arith.constant dense<0.000000e+00> : vector<16x64xf32>
    %reduce_sum3A_112 = vector.multi_reduction <add>, %mul3A_110, %reduce_sum3A_111 [1] : vector<16x50x64xf32> to vector<16x64xf32>
    %get3A_113 = arith.constant 0 : index
    %get3A_114 = arith.constant 0 : index
    %get3A_115 = vector.load %arg9[%get3A_113, %get3A_114] : memref<64x64xf32, #tpu.memory_space<vmem>>, vector<64x64xf32>
    %dot_general3A_116 = arith.constant dense<0.000000e+00> : vector<16x64xf32>
    %dot_general3A_117 = tpu.matmul %reduce_sum3A_112, %get3A_115, %dot_general3A_116 {dimension_numbers = #tpu.dot_dimension_numbers<[1], [0], [0], [1], [0, 0, 1, 1], [], []>, transpose_lhs_hint = false} : vector<16x64xf32>, vector<64x64xf32>, vector<16x64xf32> -> vector<16x64xf32>
    %get3A_118 = arith.constant 0 : index
    %get3A_119 = vector.load %arg10[%get3A_118] : memref<64xf32, #tpu.memory_space<vmem>>, vector<64xf32>
    %broadcast_in_dim3A_120 = vector.shape_cast %get3A_119 : vector<64xf32> to vector<1x64xf32>
    %mul3A_121 = arith.constant 5.000000e+01 : f32
    %mul3A_122 = vector.broadcast %mul3A_121 : f32 to vector<1x64xf32>
    %mul3A_123 = arith.mulf %mul3A_122, %broadcast_in_dim3A_120 : vector<1x64xf32>
    %add3A_124 = vector.broadcast %mul3A_123 : vector<1x64xf32> to vector<16x64xf32>
    %add3A_125 = arith.addf %dot_general3A_117, %add3A_124 : vector<16x64xf32>
    %swap3A_126 = arith.constant 0 : index
    %swap3A_127 = arith.constant 0 : index
    %swap3A_128 = vector.load %arg13[%swap3A_126, %swap3A_127] : memref<16x64xf32, #tpu.memory_space<vmem>>, vector<16x64xf32>
    tpu.vector_store %arg13[%swap3A_126, %swap3A_127], %add3A_125 {strides = array<i32>} : memref<16x64xf32, #tpu.memory_space<vmem>>, vector<16x64xf32>,
    return
  }
  func.func @transform_0(%arg0: i32) -> (i32, i32) {
    %c0_i32 = arith.constant 0 : i32
    %c0_i32_0 = arith.constant 0 : i32
    return %arg0, %c0_i32 : i32, i32
  }
  func.func @transform_1(%arg0: i32) -> (i32, i32) {
    %c0_i32 = arith.constant 0 : i32
    %c0_i32_0 = arith.constant 0 : i32
    return %arg0, %c0_i32 : i32, i32
  }
  func.func @transform_2(%arg0: i32) -> i32 {
    %c0_i32 = arith.constant 0 : i32
    %c0_i32_0 = arith.constant 0 : i32
    return %c0_i32 : i32
  }
  func.func @transform_3(%arg0: i32) -> i32 {
    %c0_i32 = arith.constant 0 : i32
    %c0_i32_0 = arith.constant 0 : i32
    return %c0_i32 : i32
  }
  func.func @transform_4(%arg0: i32) -> i32 {
    %c0_i32 = arith.constant 0 : i32
    %c0_i32_0 = arith.constant 0 : i32
    return %c0_i32 : i32
  }
  func.func @transform_5(%arg0: i32) -> (i32, i32) {
    %c0_i32 = arith.constant 0 : i32
    %c0_i32_0 = arith.constant 0 : i32
    %c0_i32_1 = arith.constant 0 : i32
    return %c0_i32, %c0_i32_0 : i32, i32
  }
  func.func @transform_6(%arg0: i32) -> i32 {
    %c0_i32 = arith.constant 0 : i32
    %c0_i32_0 = arith.constant 0 : i32
    return %c0_i32 : i32
  }
  func.func @transform_7(%arg0: i32) -> i32 {
    %c0_i32 = arith.constant 0 : i32
    %c0_i32_0 = arith.constant 0 : i32
    return %c0_i32 : i32
  }
  func.func @transform_8(%arg0: i32) -> (i32, i32) {
    %c0_i32 = arith.constant 0 : i32
    %c0_i32_0 = arith.constant 0 : i32
    %c0_i32_1 = arith.constant 0 : i32
    return %c0_i32, %c0_i32_0 : i32, i32
  }
  func.func @transform_9(%arg0: i32) -> i32 {
    %c0_i32 = arith.constant 0 : i32
    %c0_i32_0 = arith.constant 0 : i32
    return %c0_i32 : i32
  }
  func.func @transform_10(%arg0: i32) -> (i32, i32, i32) {
    %jit3A = arith.constant 4 : i32
    %div3A = arith.divsi %arg0, %jit3A : i32
    %sign3A = arith.constant 0 : i32
    %sign3A_0 = arith.cmpi sgt, %arg0, %sign3A : i32
    %sign3A_1 = arith.extui %sign3A_0 : i1 to i32
    %sign3A_2 = arith.constant 0 : i32
    %sign3A_3 = arith.cmpi slt, %arg0, %sign3A_2 : i32
    %sign3A_4 = arith.extui %sign3A_3 : i1 to i32
    %sign3A_5 = arith.subi %sign3A_1, %sign3A_4 : i32
    %sign3A_6 = arith.constant 0 : i32
    %sign3A_7 = arith.cmpi sgt, %jit3A, %sign3A_6 : i32
    %sign3A_8 = arith.extui %sign3A_7 : i1 to i32
    %sign3A_9 = arith.constant 0 : i32
    %sign3A_10 = arith.cmpi slt, %jit3A, %sign3A_9 : i32
    %sign3A_11 = arith.extui %sign3A_10 : i1 to i32
    %sign3A_12 = arith.subi %sign3A_8, %sign3A_11 : i32
    %ne3A = arith.cmpi ne, %sign3A_5, %sign3A_12 : i32
    %rem3A = arith.remsi %arg0, %jit3A : i32
    %ne3A_13 = arith.constant 0 : i32
    %ne3A_14 = arith.cmpi ne, %rem3A, %ne3A_13 : i32
    %and3A = arith.andi %ne3A, %ne3A_14 : i1
    %sub3A = arith.constant 1 : i32
    %sub3A_15 = arith.subi %div3A, %sub3A : i32
    %select_n3A = arith.select %and3A, %sub3A_15, %div3A : i32
    %jit3A_16 = arith.constant 4 : i32
    %eq3A = arith.constant 0 : i32
    %eq3A_17 = arith.cmpi eq, %jit3A_16, %eq3A : i32
    %jit3A_18 = arith.constant 1 : i32
    %select_n3A_19 = arith.select %eq3A_17, %jit3A_18, %jit3A_16 : i32
    %rem3A_20 = arith.remsi %arg0, %select_n3A_19 : i32
    %ne3A_21 = arith.constant 0 : i32
    %ne3A_22 = arith.cmpi ne, %rem3A_20, %ne3A_21 : i32
    %lt3A = arith.constant 0 : i32
    %lt3A_23 = arith.cmpi slt, %rem3A_20, %lt3A : i32
    %lt3A_24 = arith.constant 0 : i32
    %lt3A_25 = arith.cmpi slt, %select_n3A_19, %lt3A_24 : i32
    %ne3A_26 = arith.xori %lt3A_23, %lt3A_25 : i1
    %and3A_27 = arith.andi %ne3A_26, %ne3A_22 : i1
    %add3A = arith.addi %rem3A_20, %select_n3A_19 : i32
    %select_n3A_28 = arith.select %and3A_27, %add3A, %rem3A_20 : i32
    %c0_i32 = arith.constant 0 : i32
    %c0_i32_29 = arith.constant 0 : i32
    return %select_n3A, %select_n3A_28, %c0_i32 : i32, i32, i32
  }
  func.func @transform_11(%arg0: i32) -> (i32, i32, i32) {
    %c0_i32 = arith.constant 0 : i32
    %c0_i32_0 = arith.constant 0 : i32
    %c0_i32_1 = arith.constant 0 : i32
    return %arg0, %c0_i32, %c0_i32_0 : i32, i32, i32
  }
  func.func @transform_12(%arg0: i32) -> (i32, i32) {
    %c0_i32 = arith.constant 0 : i32
    %c0_i32_0 = arith.constant 0 : i32
    return %arg0, %c0_i32 : i32, i32
  }
}

module attributes {stable_mosaic.version = 14 : i64} {
  func.func @_sent_body(%arg0: memref<1024x64xf32, #tpu.memory_space<vmem>>, %arg1: memref<64xf32, #tpu.memory_space<vmem>>, %arg2: memref<64xf32, #tpu.memory_space<vmem>>, %arg3: memref<64x32xf32, #tpu.memory_space<vmem>>, %arg4: memref<32xf32, #tpu.memory_space<vmem>>, %arg5: memref<32xf32, #tpu.memory_space<vmem>>, %arg6: memref<64x1xf32, #tpu.memory_space<vmem>>, %arg7: memref<1xf32, #tpu.memory_space<vmem>>, %arg8: memref<16x64x1xf32, #tpu.memory_space<vmem>>, %arg9: memref<16x1xf32, #tpu.memory_space<vmem>>) attributes {dimension_semantics = [], scalar_prefetch = 0 : i64, scratch_operands = 0 : i64, tpu.core_type = #tpu.core_type<tc>} {
    %get3A = arith.constant 0 : index
    %get3A_0 = arith.constant 0 : index
    %get3A_1 = vector.load %arg0[%get3A, %get3A_0] : memref<1024x64xf32, #tpu.memory_space<vmem>>, vector<1024x64xf32>
    %reduce_sum3A = arith.constant dense<0.000000e+00> : vector<1024xf32>
    %reduce_sum3A_2 = vector.multi_reduction <add>, %get3A_1, %reduce_sum3A [1] : vector<1024x64xf32> to vector<1024xf32>
    %broadcast_in_dim3A = vector.shape_cast %reduce_sum3A_2 : vector<1024xf32> to vector<1024x1xf32>
    %div3A = arith.constant 6.400000e+01 : f32
    %div3A_3 = vector.broadcast %div3A : f32 to vector<1024x1xf32>
    %div3A_4 = arith.divf %broadcast_in_dim3A, %div3A_3 : vector<1024x1xf32>
    %sub3A = vector.broadcast %div3A_4 : vector<1024x1xf32> to vector<1024x64xf32>
    %sub3A_5 = arith.subf %get3A_1, %sub3A : vector<1024x64xf32>
    %integer_pow3A = arith.mulf %sub3A_5, %sub3A_5 : vector<1024x64xf32>
    %reduce_sum3A_6 = arith.constant dense<0.000000e+00> : vector<1024xf32>
    %reduce_sum3A_7 = vector.multi_reduction <add>, %integer_pow3A, %reduce_sum3A_6 [1] : vector<1024x64xf32> to vector<1024xf32>
    %broadcast_in_dim3A_8 = vector.shape_cast %reduce_sum3A_7 : vector<1024xf32> to vector<1024x1xf32>
    %div3A_9 = arith.constant 6.400000e+01 : f32
    %div3A_10 = vector.broadcast %div3A_9 : f32 to vector<1024x1xf32>
    %div3A_11 = arith.divf %broadcast_in_dim3A_8, %div3A_10 : vector<1024x1xf32>
    %sub3A_12 = vector.broadcast %div3A_4 : vector<1024x1xf32> to vector<1024x64xf32>
    %sub3A_13 = arith.subf %get3A_1, %sub3A_12 : vector<1024x64xf32>
    %add3A = arith.constant 9.99999974E-6 : f32
    %add3A_14 = vector.broadcast %add3A : f32 to vector<1024x1xf32>
    %add3A_15 = arith.addf %div3A_11, %add3A_14 : vector<1024x1xf32>
    %rsqrt3A = math.rsqrt %add3A_15 : vector<1024x1xf32>
    %mul3A = vector.broadcast %rsqrt3A : vector<1024x1xf32> to vector<1024x64xf32>
    %mul3A_16 = arith.mulf %sub3A_13, %mul3A : vector<1024x64xf32>
    %get3A_17 = arith.constant 0 : index
    %get3A_18 = vector.load %arg1[%get3A_17] : memref<64xf32, #tpu.memory_space<vmem>>, vector<64xf32>
    %broadcast_in_dim3A_19 = vector.shape_cast %get3A_18 : vector<64xf32> to vector<1x64xf32>
    %mul3A_20 = vector.broadcast %broadcast_in_dim3A_19 : vector<1x64xf32> to vector<1024x64xf32>
    %mul3A_21 = arith.mulf %mul3A_16, %mul3A_20 : vector<1024x64xf32>
    %get3A_22 = arith.constant 0 : index
    %get3A_23 = vector.load %arg2[%get3A_22] : memref<64xf32, #tpu.memory_space<vmem>>, vector<64xf32>
    %broadcast_in_dim3A_24 = vector.shape_cast %get3A_23 : vector<64xf32> to vector<1x64xf32>
    %add3A_25 = vector.broadcast %broadcast_in_dim3A_24 : vector<1x64xf32> to vector<1024x64xf32>
    %add3A_26 = arith.addf %mul3A_21, %add3A_25 : vector<1024x64xf32>
    %get3A_27 = arith.constant 0 : index
    %get3A_28 = arith.constant 0 : index
    %get3A_29 = vector.load %arg3[%get3A_27, %get3A_28] : memref<64x32xf32, #tpu.memory_space<vmem>>, vector<64x32xf32>
    %dot_general3A = arith.constant dense<0.000000e+00> : vector<1024x32xf32>
    %dot_general3A_30 = tpu.matmul %add3A_26, %get3A_29, %dot_general3A {dimension_numbers = #tpu.dot_dimension_numbers<[1], [0], [0], [1], [0, 0, 1, 1], [], []>, transpose_lhs_hint = false} : vector<1024x64xf32>, vector<64x32xf32>, vector<1024x32xf32> -> vector<1024x32xf32>
    %get3A_31 = arith.constant 0 : index
    %get3A_32 = vector.load %arg4[%get3A_31] : memref<32xf32, #tpu.memory_space<vmem>>, vector<32xf32>
    %broadcast_in_dim3A_33 = vector.shape_cast %get3A_32 : vector<32xf32> to vector<1x32xf32>
    %add3A_34 = vector.broadcast %broadcast_in_dim3A_33 : vector<1x32xf32> to vector<1024x32xf32>
    %add3A_35 = arith.addf %dot_general3A_30, %add3A_34 : vector<1024x32xf32>
    %tanh3A = math.tanh %add3A_35 : vector<1024x32xf32>
    %get3A_36 = arith.constant 0 : index
    %get3A_37 = vector.load %arg5[%get3A_36] : memref<32xf32, #tpu.memory_space<vmem>>, vector<32xf32>
    %broadcast_in_dim3A_38 = vector.shape_cast %get3A_37 : vector<32xf32> to vector<1x32xf32>
    %mul3A_39 = vector.broadcast %broadcast_in_dim3A_38 : vector<1x32xf32> to vector<1024x32xf32>
    %mul3A_40 = arith.mulf %tanh3A, %mul3A_39 : vector<1024x32xf32>
    %reduce_sum3A_41 = arith.constant dense<0.000000e+00> : vector<1024xf32>
    %reduce_sum3A_42 = vector.multi_reduction <add>, %mul3A_40, %reduce_sum3A_41 [1] : vector<1024x32xf32> to vector<1024xf32>
    %broadcast_in_dim3A_43 = vector.shape_cast %reduce_sum3A_42 : vector<1024xf32> to vector<1024x1xf32>
    %reshape3A = vector.shape_cast %broadcast_in_dim3A_43 : vector<1024x1xf32> to vector<16x64x1xf32>
    %reduce_max3A = arith.constant dense<0xFF800000> : vector<16x1xf32>
    %reduce_max3A_44 = vector.multi_reduction <maximumf>, %reshape3A, %reduce_max3A [1] : vector<16x64x1xf32> to vector<16x1xf32>
    %broadcast_in_dim3A_45 = vector.shape_cast %reduce_max3A_44 : vector<16x1xf32> to vector<16x1x1xf32>
    %sub3A_46 = vector.broadcast %broadcast_in_dim3A_45 : vector<16x1x1xf32> to vector<16x64x1xf32>
    %sub3A_47 = arith.subf %reshape3A, %sub3A_46 : vector<16x64x1xf32>
    %exp3A = math.exp %sub3A_47 : vector<16x64x1xf32>
    %reduce_sum3A_48 = arith.constant dense<0.000000e+00> : vector<16x1xf32>
    %reduce_sum3A_49 = vector.multi_reduction <add>, %exp3A, %reduce_sum3A_48 [1] : vector<16x64x1xf32> to vector<16x1xf32>
    %broadcast_in_dim3A_50 = vector.shape_cast %reduce_sum3A_49 : vector<16x1xf32> to vector<16x1x1xf32>
    %div3A_51 = vector.broadcast %broadcast_in_dim3A_50 : vector<16x1x1xf32> to vector<16x64x1xf32>
    %div3A_52 = arith.divf %exp3A, %div3A_51 : vector<16x64x1xf32>
    %swap3A = arith.constant 0 : index
    %swap3A_53 = arith.constant 0 : index
    %swap3A_54 = arith.constant 0 : index
    %swap3A_55 = vector.load %arg8[%swap3A, %swap3A_53, %swap3A_54] : memref<16x64x1xf32, #tpu.memory_space<vmem>>, vector<16x64x1xf32>
    tpu.vector_store %arg8[%swap3A, %swap3A_53, %swap3A_54], %div3A_52 {strides = array<i32>} : memref<16x64x1xf32, #tpu.memory_space<vmem>>, vector<16x64x1xf32>,
    %reshape3A_56 = vector.shape_cast %get3A_1 : vector<1024x64xf32> to vector<16x64x64xf32>
    %mul3A_57 = vector.broadcast %div3A_52 : vector<16x64x1xf32> to vector<16x64x64xf32>
    %mul3A_58 = arith.mulf %reshape3A_56, %mul3A_57 : vector<16x64x64xf32>
    %reduce_sum3A_59 = arith.constant dense<0.000000e+00> : vector<16x64xf32>
    %reduce_sum3A_60 = vector.multi_reduction <add>, %mul3A_58, %reduce_sum3A_59 [1] : vector<16x64x64xf32> to vector<16x64xf32>
    %get3A_61 = arith.constant 0 : index
    %get3A_62 = arith.constant 0 : index
    %get3A_63 = vector.load %arg6[%get3A_61, %get3A_62] : memref<64x1xf32, #tpu.memory_space<vmem>>, vector<64x1xf32>
    %dot_general3A_64 = arith.constant dense<0.000000e+00> : vector<16x1xf32>
    %dot_general3A_65 = tpu.matmul %reduce_sum3A_60, %get3A_63, %dot_general3A_64 {dimension_numbers = #tpu.dot_dimension_numbers<[1], [0], [0], [1], [0, 0, 1, 1], [], []>, transpose_lhs_hint = false} : vector<16x64xf32>, vector<64x1xf32>, vector<16x1xf32> -> vector<16x1xf32>
    %get3A_66 = arith.constant 0 : index
    %get3A_67 = vector.load %arg7[%get3A_66] : memref<1xf32, #tpu.memory_space<vmem>>, vector<1xf32>
    %broadcast_in_dim3A_68 = vector.shape_cast %get3A_67 : vector<1xf32> to vector<1x1xf32>
    %add3A_69 = vector.broadcast %broadcast_in_dim3A_68 : vector<1x1xf32> to vector<16x1xf32>
    %add3A_70 = arith.addf %dot_general3A_65, %add3A_69 : vector<16x1xf32>
    %neg3A = arith.constant 0.000000e+00 : f32
    %neg3A_71 = vector.broadcast %neg3A : f32 to vector<16x1xf32>
    %neg3A_72 = arith.subf %neg3A_71, %add3A_70 : vector<16x1xf32>
    %exp3A_73 = math.exp %neg3A_72 : vector<16x1xf32>
    %add3A_74 = arith.constant 1.000000e+00 : f32
    %add3A_75 = vector.broadcast %add3A_74 : f32 to vector<16x1xf32>
    %add3A_76 = arith.addf %add3A_75, %exp3A_73 : vector<16x1xf32>
    %div3A_77 = arith.constant 1.000000e+00 : f32
    %div3A_78 = vector.broadcast %div3A_77 : f32 to vector<16x1xf32>
    %div3A_79 = arith.divf %div3A_78, %add3A_76 : vector<16x1xf32>
    %swap3A_80 = arith.constant 0 : index
    %swap3A_81 = arith.constant 0 : index
    %swap3A_82 = vector.load %arg9[%swap3A_80, %swap3A_81] : memref<16x1xf32, #tpu.memory_space<vmem>>, vector<16x1xf32>
    tpu.vector_store %arg9[%swap3A_80, %swap3A_81], %div3A_79 {strides = array<i32>} : memref<16x1xf32, #tpu.memory_space<vmem>>, vector<16x1xf32>,
    return
  }
}

</mosaic_0001>

<sc_bundles>
// kernel: kernel.10.cloned.1.call-start
scs
__scs_entry_jumppad:
0x0: {  	(pc) =	sbr.rel $0x88, $3  }
0x1: {  	(tag) =	ssettag $0x0;
	lr =	simm.s32 $0x1  }
0x2: {  	[smem:$0x3F8E] =	sst lr;
	_ =	strace $0xD0000000  }
0x3: {  	_ = 	snop  }
0x4: {  	_ = 	snop  }
0x5: {  	_ = 	snop  }
0x6: {  	_ = 	snop  }
0x7: {  	_ = 	snop  }
__scs_overlays_trampoline_lowered:
0x8: {  	[smem:$0x3F9D] =	sst s0  }
0x9: {  	[smem:$0x3F9E] =	sst s1  }
0xa: {  	[smem:$0x3F9F] =	sst s2  }
0xb: {  	[smem:$0x3FA0] =	sst s3  }
0xc: {  	[smem:$0x3FA1] =	sst s4  }
0xd: {  	[smem:$0x3FA2] =	sst s5  }
0xe: {  	[smem:$0x3FA3] =	sst s6  }
0xf: {  	[smem:$0x3FA4] =	sst s7  }
0x10: {  	[smem:$0x3FA5] =	sst s8  }
0x11: {  	[smem:$0x3FA6] =	sst s9;
	s0 =	simm.s32 @!p0 $0x0  }
0x12: {  	s1 =	sld [smem:$0x3F8C];
	s0 =	simm.s32 @p0 $0x1  }
0x13: {  	[smem:$0x3FA7] =	sst s0;
	s0 =	simm.s32 @!p1 $0x0  }
0x14: {  	s2 =	sld [smem:$0x3F8B];
	s0 =	simm.s32 @p1 $0x1  }
0x15: {  	[smem:$0x3FA8] =	sst s0;
	s0 =	simm.s32 @!p2 $0x0  }
0x16: {  	s3 =	sld [smem:$0x3FDB];
	s0 =	simm.s32 @p2 $0x1  }
0x17: {  	s4 =	simm.s32 $0x1BF5;
	[smem:$0x3FAA] =	sst s0  }
0x18: {  	s0 =	sld [smem:$0x3F8D];
	_ =	swait.ge [sflag:s4], $0x0  }
0x19: {  	s7 =	sld [smem:$0x3F8E]  }
0x1a: {  	s8 =	sadd.s32 $0xFFFFE003, lr  }
0x1b: {  	s9 =	sadd.s32 $0xFFFFFEF7, lr;
	s5 =	simm.s32 $0xFFFFFFFF;
	p2 =	slt.u32 s8, $0xFFFFF086  }
0x1c: {  	p1 =	slt.u32 s9, $0xF7A;
	s5 =	simm.s32 @!p2 $0x0  }
0x1d: {  	s5 =	simm.s32 @p1 $0x1;
	p0 =	seq.s32 s7, s2  }
0x1e: {  	s7 =	smul.u32 @!p0 $0xF7A, s2;
	p2 =	seq.s32 @!p0 s5, $0x0  }
0x1f: {  	s9 =	smul.u32 $0xF7A, s1;
	s8 =	simm.s32 @!p0 $0x1BF5;
	p2 =	por !p2, p0  }
0x20: {  	[sflag:s8] =	ssyncset.s32 @!p0 $0xFFFFF086;
	s6 =	sadd.s32 @!p0 s3, s7;
	s7 =	simm.s32 @!p0 $0x108  }
0x21: {  	s3 =	sadd.s32 s3, s9;
	s6 =	sadd.s32 @!p0 $0x88, s6;
	s7 =	simm.s32 @p2 $0x1082  }
0x22: {  	[simem:s7], [sflag:s8] =	dma.local @!p0 [hbm:s6], $0xF7A  }
0x23: {  	s9 =	sor.u32 $0xD0000000, s2;
	s6 =	simm.s32 $0x108;
	_ =	swait.ge @!p0 [sflag:s8], $0x0  }
0x24: {  	s3 =	sadd.s32 $0x88, s3;
	s6 =	simm.s32 @!p1 $0x1082;
	[sflag:s4] =	ssyncset.s32 $0xFFFFF086  }
0x25: {  	[simem:s6], [sflag:s4] =	dma.local [hbm:s3], $0xF7A  }
0x26: {  	[smem:$0x3F8E] =	sst s1;
	(tag) =	ssettag s2;
	_ =	strace s9  }
0x27: {  	s1 =	sld [smem:$0x3F9E]  }
0x28: {  	s2 =	sld [smem:$0x3F9F]  }
0x29: {  	s4 =	sld [smem:$0x3FA1]  }
0x2a: {  	p0 =	seq.s32 s5, $0x0;
	s5 =	sld [smem:$0x3FA2]  }
0x2b: {  	s6 =	sld [smem:$0x3FA3]  }
0x2c: {  	s7 =	sld [smem:$0x3FA4]  }
0x2d: {  	s3 =	simm.s32 $0x108;
	s8 =	sld [smem:$0x3FA5]  }
0x2e: {  	s3 =	simm.s32 @!p0 $0x1082;
	s9 =	sld [smem:$0x3FA6]  }
0x2f: {  	lr =	sadd.s32 s0, s3;
	s0 =	sld [smem:$0x3F9D]  }
0x30: {  	s3 =	sld [smem:$0x3FA0]  }
0x31: {  	[smem:$0x3FA9] =	sst s10  }
0x32: {  	s10 =	sld [smem:$0x3FA7];
	_ =	sdelay $0x3  }
0x33: {  	p0 =	seq.s32 s10, $0x1;
	s10 =	sld [smem:$0x3FA9];
	_ =	sdelay $0x3  }
0x34: {  	[smem:$0x3FA9] =	sst s10  }
0x35: {  	s10 =	sld [smem:$0x3FA8];
	_ =	sdelay $0x3  }
0x36: {  	p1 =	seq.s32 s10, $0x1;
	s10 =	sld [smem:$0x3FA9];
	_ =	sdelay $0x3  }
0x37: {  	[smem:$0x3FA9] =	sst s10  }
0x38: {  	s10 =	sld [smem:$0x3FAA]  }
0x39: {  	_ = 	snop;
	(pc) =	sbr.ind lr, $3  }
0x3a: {  	_ = 	snop  }
0x3b: {  	_ = 	snop  }
0x3c: {  	p2 =	seq.s32 s10, $0x1;
	s10 =	sld [smem:$0x3FA9]  }
0x3d: {  	_ =	shalt  }
0x3e: {  	_ =	shalt  }
0x3f: {  	_ =	shalt  }
0x40: {  	_ =	shalt  }
0x41: {  	_ =	shalt  }
0x42: {  	_ =	shalt  }
0x43: {  	_ =	shalt  }
0x44: {  	_ =	shalt  }
0x45: {  	_ =	shalt  }
0x46: {  	_ =	shalt  }
0x47: {  	_ =	shalt  }
0x48: {  	_ =	shalt  }
0x49: {  	_ =	shalt  }
0x4a: {  	_ =	shalt  }
0x4b: {  	_ =	shalt  }
0x4c: {  	_ =	shalt  }
0x4d: {  	_ =	shalt  }
0x4e: {  	_ =	shalt  }
0x4f: {  	_ =	shalt  }
0x50: {  	_ =	shalt  }
0x51: {  	_ =	shalt  }
0x52: {  	_ =	shalt  }
0x53: {  	_ =	shalt  }
0x54: {  	_ =	shalt  }
0x55: {  	_ =	shalt  }
0x56: {  	_ =	shalt  }
0x57: {  	_ =	shalt  }
0x58: {  	_ =	shalt  }
0x59: {  	_ =	shalt  }
0x5a: {  	_ =	shalt  }
0x5b: {  	_ =	shalt  }
0x5c: {  	_ =	shalt  }
0x5d: {  	_ =	shalt  }
0x5e: {  	_ =	shalt  }
0x5f: {  	_ =	shalt  }
0x60: {  	_ =	shalt  }
0x61: {  	_ =	shalt  }
0x62: {  	_ =	shalt  }
0x63: {  	_ =	shalt  }
0x64: {  	_ =	shalt  }
0x65: {  	_ =	shalt  }
0x66: {  	_ =	shalt  }
0x67: {  	_ =	shalt  }
0x68: {  	_ =	shalt  }
0x69: {  	_ =	shalt  }
0x6a: {  	_ =	shalt  }
0x6b: {  	_ =	shalt  }
0x6c: {  	_ =	shalt  }
0x6d: {  	_ =	shalt  }
0x6e: {  	_ =	shalt  }
0x6f: {  	_ =	shalt  }
0x70: {  	_ =	shalt  }
0x71: {  	_ =	shalt  }
0x72: {  	_ =	shalt  }
0x73: {  	_ =	shalt  }
0x74: {  	_ =	shalt  }
0x75: {  	_ =	shalt  }
0x76: {  	_ =	shalt  }
0x77: {  	_ =	shalt  }
0x78: {  	_ =	shalt  }
0x79: {  	_ =	shalt  }
0x7a: {  	_ =	shalt  }
0x7b: {  	_ =	shalt  }
0x7c: {  	_ =	shalt  }
0x7d: {  	_ =	shalt  }
0x7e: {  	_ =	shalt  }
0x7f: {  	_ =	shalt  }
0x80: {  	_ =	shalt  }
0x81: {  	_ =	shalt  }
0x82: {  	_ =	shalt  }
0x83: {  	_ =	shalt  }
0x84: {  	_ =	shalt  }
0x85: {  	_ =	shalt  }
0x86: {  	_ =	shalt  }
0x87: {  	_ =	shalt  }
.Lfunc_end0:
.L_simem_size_0:
called_computation.1_lowered:
.L_overlay_start_0:
0x88: {  	s2 =	sld [smem:$0x3FD9]  }
0x89: {  	s3 =	sld [smem:$0x3FFE];
	_ =	sdelay $0x1  }
0x8a: {  	s1 =	srdreg.scid  }
0x8b: {  	s0 =	sand.u32 $0x1, s1  }
0x8c: {  	s16 =	sshll.u32 s0, $0xA;
	s2 =	sadd.s32 s3, s2  }
0x8d: {  	s2 =	sadd.s32 s2, s16  }
0x8e: {  	[smem:$0x3FB5] =	sst s2  }
0x8f: {  	_ = 	snop  }
0x90: {  	(tm) =	ssettm $0x1  }
0x91: {  	s17 =	sld [smem:$0x3FFB];
	_ =	sdelay $0x3  }
0x92: {  	_ =	strace s17  }
0x93: {  	s2 =	sld [smem:$0x3FFC];
	_ =	sdelay $0x3  }
0x94: {  	_ =	strace s2  }
0x95: {  	s2 =	sld [smem:$0x3FFD];
	_ =	sdelay $0x3  }
0x96: {  	_ =	strace s2  }
0x97: {  	_ =	strace $0x8FFFFFFF  }
0x98: {  	s18 =	sld [smem:$0x3FDB];
	_ =	sdelay $0x1  }
0x99: {  	s19 =	simm.s32 $_scs_section_size  }
0x9a: {  	s4 =	simm.s32 $_size__tile_overlayer_lowered;
	s5 =	simm.s32 $_tile_overlayer_lowered  }
0x9b: {  	s22 =	simm.s32 $0x1BFF;
	s21 =	sshll.u32 s5, $0x1;
	s2 =	sadd.s32 s19, s18  }
0x9c: {  	s6 =	simm.s32 $0x0;
	s20 =	sshll.u32 s4, $0x1;
	s4 =	sadd.s32 s21, s2  }
0x9d: {  	[timem:s6], [sflag:s22] =	dma.local [hbm:s4], s20  }
0x9e: {  	_ =	swait.ge [sflag:s22], s20  }
0x9f: {  	s3 =	ssub.s32 $0x0, s20;
	[sflag:s22] =	ssyncset.done $0x0  }
0xa0: {  	[sflag:s22] =	ssyncadd.s32 s3;
	_ =	sdelay $0x1  }
0xa1: {  	s23 =	simm.s32 $0x1B8B  }
0xa2: {  	_ =	swait.ge [sflag:s23], $0x1  }
0xa3: {  	[sflag:s23] =	ssyncset.done $0x0  }
0xa4: {  	s25 =	simm.s32 $0x1B8E;
	s24 =	sld [smem:$0x3FFE];
	[sflag:s23] =	ssyncadd.s32 $0xFFFFFFFF  }
0xa5: {  	s26 =	simm.s32 $execute0_lowered;
	[smem:$0x3FD2] =	sst s25  }
0xa6: {  	s4 =	sshll.u32 s26, $0x1;
	_ =	strace $0x80000049;
	[dreg:$0x1] =	wrdreg $0xFFFFFFFF  }
0xa7: {  	s28 =	simm.s32 $_size_execute0_lowered;
	s2 =	sadd.s32 s2, s4;
	[dreg:$0x0] =	wrdreg $0x0  }
0xa8: {  	s4 =	sshll.u32 s28, $0x1;
	[dreg:$0x2] =	wrdreg s2  }
0xa9: {  	[dreg:$0x3] =	wrdreg s4  }
0xaa: {  	[dreg:$0x4] =	wrdreg $0xC0  }
0xab: {  	_ =	task [dreg:s6], $0x5FFFF  }
0xac: {  	[dreg:$0x1] =	wrdreg $0xFFFFFFFF  }
0xad: {  	[dreg:$0x0] =	wrdreg $0x60  }
0xae: {  	[dreg:$0x2] =	wrdreg s24  }
0xaf: {  	[dreg:$0x3] =	wrdreg $0x9  }
0xb0: {  	_ =	task.clear_ibuf [dreg:s6], $0x4FFFF;
	_ =	strace $0x90000049  }
0xb1: {  	s29 =	simm.s32 $0x9;
	_ =	strace $0x8000004B  }
0xb2: {  	_ =	swait.ge [sflag:s29], $0x1  }
0xb3: {  	[sflag:s29] =	ssyncadd.s32 $0xFFFFFFFF  }
0xb4: {  	_ =	strace $0x9000004B  }
0xb5: {  	_ =	sfence  }
0xb6: {  	s30 =	sld [smem:$0x0];
	_ =	sdelay $0x2  }
0xb7: {  	s31 =	sshll.u32 s1, $0xD;
	s1 =	sshrl.u32 s1, $0x2  }
0xb8: {  	s3 =	sand.u32 $0x4000, s31;
	s1 =	sadd.s32 s1, s30  }
0xb9: {  	s0 =	sor.u32 s3, s0;
	s1 =	sshll.u32 s1, $0x11  }
0xba: {  	s0 =	sor.u32 s1, s0  }
0xbb: {  	s0 =	sadd.s32 $0x8F2B, s0  }
0xbc: {  	[sflag:s0] =	ssyncadd.remote.s32 $0x1  }
0xbd: {  	_ =	sfence.sel $0xFFFF  }
0xbe: {  	[dreg:$0x0] =	wrdreg $0xFFFFFFFF;
	(pc) =	sbr.abs _section_cstart, $3  }
0xbf: {  	[dreg:$0x1] =	wrdreg $0xFFFFFFFF  }
0xc0: {  	_ =	task.clear_ibuf [dreg:s6], $0x2FFFF;
	_ =	strace $0x9FFFFFFF  }
0xc1: {  	(tm) =	ssettm $0x7FFFFFFF  }
tec
execute0_lowered:
.L_overlay_start_1:
0x0: {  	(tag) =	ssettag $0x1  }
0x1: {  	s1 =	srdreg.scid;
	s0 =	stileid.u32  }
0x2: {  	s10 =	sand.u32 $0x1, s1;
	s28 =	sshll.u32 s0, $0x1  }
0x3: {  	s11 =	sor.u32 s10, s28  }
0x4: {  	s9 =	rddreg [dreg:$0x0];
	s3 =	smul.u32 $0xC8, s11  }
0x5: {  	s2 =	simm.s32 $0x0;
	s1 =	rddreg [dreg:$0x1]  }
0x6: {  	[smem:$0x7FF] =	sst s2;
	s3 =	sadd.s32 s3, s9  }
0x7: {  	_ =	strace $0x8000004A;
	s4 =	sadd.s32 $0xCC000, s3;
	s3 =	simm.s32 $0x2  }
0x8: {  	[tilespmem:s2], [sflag:$0x2] =	stream.linear.gather [hbm4b:s4+s2], $0x640, $0x38;
	[tilespmem:$0x19680] =	vst v63  }
0x9: {  	_ =	swait.ge [sflag:s3], $0x640  }
0xa: {  	s6 =	simm.s32 $0x320;
	s7 =	simm.s32 $0x680;
	[sflag:s3] =	ssyncset.done $0x0  }
0xb: {  	s8 =	simm.s32 $0x1;
	s5 =	sadd.s32 $0xCDA00, s9;
	[sflag:s3] =	ssyncadd.s32 $0xFFFFF9C0  }
0xc: {  	[tilespmem:s7], [sflag:$0x1] =	stream.indirect.gather [hbm4b:s5+s6], $0x80, s2, s6, $0xb8;
	[tilespmem:$0x19680] =	vst v63  }
0xd: {  	s12 =	smul.u32 $0x6400, s11;
	_ =	swait.ge [sflag:s8], $0x19000  }
0xe: {  	s13 =	sadd.s32 $0x254400, s9;
	[sflag:s8] =	ssyncset.done $0x0  }
0xf: {  	s10 =	ssub.s32 $0x2, s10;
	s9 =	sadd.s32 s13, s12;
	[sflag:s8] =	ssyncadd.s32 $0xFFFE7000  }
0x10: {  	[hbm4b:s9+s2] =	stream.linear.scatter [tilespmem:s7], [sflag:$0x2], $0x19000, $0x38;
	[tilespmem:$0x19680] =	vst v63  }
0x11: {  	s29 =	sshrl.u32 s10, $0x1;
	_ =	swait.ge [sflag:s3], $0x19000  }
0x12: {  	s12 =	ssub.s32 s10, s29;
	[sflag:s3] =	ssyncset.done $0x0  }
0x13: {  	s11 =	smul.u32 $0x32000, s11;
	s31 =	smax.u32 s12, $0x1;
	[sflag:s3] =	ssyncadd.s32 $0xFFFE7000  }
0x14: {  	[tilespmem:s7], [sflag:$0x1] =	stream.indirect.gather [hbm4b:s5+s6], $0x80, s6, s6, $0xb8;
	[tilespmem:$0x19680] =	vst v63  }
0x15: {  	s11 =	sshrl.u32 s11, $0x3;
	p0 =	sne.s32 s31, $0x1;
	_ =	swait.ge [sflag:s8], $0x19000  }
.Ltmp0:
0x16: {  	s30 =	sadd.s32 s13, s11;
	[sflag:s8] =	ssyncset.done $0x0;
	(pc) =	sbr.rel @!p0 .LBB2_2-.Ltmp0, $4  }
0x17: {  	s10 =	sadd.s32 $0x3200, s30;
	[sflag:s8] =	ssyncadd.s32 $0xFFFE7000  }
0x18: {  	[hbm4b:s10+s2] =	stream.linear.scatter [tilespmem:s7], [sflag:$0x2], $0x19000, $0x38;
	[tilespmem:$0x19680] =	vst v63  }
0x19: {  	_ =	swait.ge [sflag:s3], $0x19000  }
0x1a: {  	s11 =	sadd.s32 $0xFFFFFFFF, s31;
	[sflag:s3] =	ssyncset.done $0x0  }
.LBB2_1:
0x1b: {  	p0 =	sne.s32 s11, $0x1;
	s11 =	sadd.s32 $0xFFFFFFFF, s11;
	[sflag:s3] =	ssyncadd.s32 $0xFFFE7000  }
0x1c: {  	[tilespmem:s2], [sflag:$0x2] =	stream.linear.gather [hbm4b:s4+s2], $0x640, $0x38;
	[tilespmem:$0x19680] =	vst v63  }
0x1d: {  	_ =	swait.ge [sflag:s3], $0x640  }
0x1e: {  	[sflag:s3] =	ssyncset.done $0x0  }
0x1f: {  	[sflag:s3] =	ssyncadd.s32 $0xFFFFF9C0  }
0x20: {  	[tilespmem:s7], [sflag:$0x1] =	stream.indirect.gather [hbm4b:s5+s6], $0x80, s2, s6, $0xb8;
	[tilespmem:$0x19680] =	vst v63  }
0x21: {  	_ =	swait.ge [sflag:s8], $0x19000  }
0x22: {  	[sflag:s8] =	ssyncset.done $0x0  }
0x23: {  	[sflag:s8] =	ssyncadd.s32 $0xFFFE7000  }
0x24: {  	[hbm4b:s9+s2] =	stream.linear.scatter [tilespmem:s7], [sflag:$0x2], $0x19000, $0x38;
	[tilespmem:$0x19680] =	vst v63  }
0x25: {  	_ =	swait.ge [sflag:s3], $0x19000  }
0x26: {  	[sflag:s3] =	ssyncset.done $0x0  }
0x27: {  	[sflag:s3] =	ssyncadd.s32 $0xFFFE7000  }
0x28: {  	[tilespmem:s7], [sflag:$0x1] =	stream.indirect.gather [hbm4b:s5+s6], $0x80, s6, s6, $0xb8;
	[tilespmem:$0x19680] =	vst v63  }
0x29: {  	_ =	swait.ge [sflag:s8], $0x19000  }
.Ltmp1:
0x2a: {  	[sflag:s8] =	ssyncset.done $0x0;
	(pc) =	sbr.rel @p0 .LBB2_1-.Ltmp1, $4  }
0x2b: {  	[sflag:s8] =	ssyncadd.s32 $0xFFFE7000  }
0x2c: {  	[hbm4b:s10+s2] =	stream.linear.scatter [tilespmem:s7], [sflag:$0x2], $0x19000, $0x38;
	[tilespmem:$0x19680] =	vst v63  }
0x2d: {  	_ =	swait.ge [sflag:s3], $0x19000  }
0x2e: {  	[sflag:s3] =	ssyncset.done $0x0  }
.LBB2_2:
0x2f: {  	[sflag:s3] =	ssyncadd.s32 $0xFFFE7000  }
0x30: {  	_ =	sfence.sel $0x180000  }
0x31: {  	[bflag:$0x0] =	sbarrier.arrive $0xFFFF  }
0x32: {  	p0 =	sne.s32 s0, $0x0;
	_ =	strace $0x9000004A  }
0x33: {  	s0 =	sadd.s32 @!p0 $0x100000, s1;
	[bflag:$0x2] =	sbarrier.arrive $0xFFFF  }
0x34: {  	[sflag:s0] =	ssyncadd.tile.s32 @!p0 $0x1;
	_ =	shalt  }
.Lfunc_end2:
_tile_overlayer_lowered:
.L_overlay_start_2:
0x35: {  	(tag) =	ssettag $0x2  }
0x36: {  	s0 =	rddreg [dreg:$0x0];
	s2 =	stileid.u32  }
0x37: {  	s1 =	rddreg [dreg:$0x1];
	p0 =	sne.s32 s2, $0x0  }
0x38: {  	s3 =	rddreg [dreg:$0x2];
	[bflag:$0x3] =	sbarrier.arrive $0xFFFF;
	s2 =	simm.s32 @!p0 $0x1C02  }
0x39: {  	[timem:s3], [sflag:s2] =	dma.local @!p0 [hbm:s0], s1  }
0x3a: {  	s0 =	simm.s32 @!p0 $0x2  }
0x3b: {  	_ =	swait.ge @!p0 [sflag:s0], s1  }
0x3c: {  	s1 =	ssub.s32 @!p0 $0x0, s1;
	[sflag:s0] =	ssyncset.done @!p0 $0x0  }
0x3d: {  	[sflag:s0] =	ssyncadd.s32 @!p0 s1  }
0x3e: {  	[bflag:$0x3] =	sbarrier.arrive $0xFFFF  }
0x3f: {  	_ =	shalt  }

// kernel: kernel.7.cloned.1.call-start
scs
__scs_entry_jumppad:
0x0: {  	(pc) =	sbr.rel $0x88, $3  }
0x1: {  	(tag) =	ssettag $0x0;
	lr =	simm.s32 $0x1  }
0x2: {  	[smem:$0x3F8E] =	sst lr;
	_ =	strace $0xD0000000  }
0x3: {  	_ = 	snop  }
0x4: {  	_ = 	snop  }
0x5: {  	_ = 	snop  }
0x6: {  	_ = 	snop  }
0x7: {  	_ = 	snop  }
__scs_overlays_trampoline_lowered:
0x8: {  	[smem:$0x3F9D] =	sst s0  }
0x9: {  	[smem:$0x3F9E] =	sst s1  }
0xa: {  	[smem:$0x3F9F] =	sst s2  }
0xb: {  	[smem:$0x3FA0] =	sst s3  }
0xc: {  	[smem:$0x3FA1] =	sst s4  }
0xd: {  	[smem:$0x3FA2] =	sst s5  }
0xe: {  	[smem:$0x3FA3] =	sst s6  }
0xf: {  	[smem:$0x3FA4] =	sst s7  }
0x10: {  	[smem:$0x3FA5] =	sst s8  }
0x11: {  	[smem:$0x3FA6] =	sst s9;
	s0 =	simm.s32 @!p0 $0x0  }
0x12: {  	s1 =	sld [smem:$0x3F8C];
	s0 =	simm.s32 @p0 $0x1  }
0x13: {  	[smem:$0x3FA7] =	sst s0;
	s0 =	simm.s32 @!p1 $0x0  }
0x14: {  	s2 =	sld [smem:$0x3F8B];
	s0 =	simm.s32 @p1 $0x1  }
0x15: {  	[smem:$0x3FA8] =	sst s0;
	s0 =	simm.s32 @!p2 $0x0  }
0x16: {  	s3 =	sld [smem:$0x3FDB];
	s0 =	simm.s32 @p2 $0x1  }
0x17: {  	s4 =	simm.s32 $0x1BF5;
	[smem:$0x3FAA] =	sst s0  }
0x18: {  	s0 =	sld [smem:$0x3F8D];
	_ =	swait.ge [sflag:s4], $0x0  }
0x19: {  	s7 =	sld [smem:$0x3F8E]  }
0x1a: {  	s8 =	sadd.s32 $0xFFFFE003, lr  }
0x1b: {  	s9 =	sadd.s32 $0xFFFFFEF7, lr;
	s5 =	simm.s32 $0xFFFFFFFF;
	p2 =	slt.u32 s8, $0xFFFFF086  }
0x1c: {  	p1 =	slt.u32 s9, $0xF7A;
	s5 =	simm.s32 @!p2 $0x0  }
0x1d: {  	s5 =	simm.s32 @p1 $0x1;
	p0 =	seq.s32 s7, s2  }
0x1e: {  	s7 =	smul.u32 @!p0 $0xF7A, s2;
	p2 =	seq.s32 @!p0 s5, $0x0  }
0x1f: {  	s9 =	smul.u32 $0xF7A, s1;
	s8 =	simm.s32 @!p0 $0x1BF5;
	p2 =	por !p2, p0  }
0x20: {  	[sflag:s8] =	ssyncset.s32 @!p0 $0xFFFFF086;
	s6 =	sadd.s32 @!p0 s3, s7;
	s7 =	simm.s32 @!p0 $0x108  }
0x21: {  	s3 =	sadd.s32 s3, s9;
	s6 =	sadd.s32 @!p0 $0x88, s6;
	s7 =	simm.s32 @p2 $0x1082  }
0x22: {  	[simem:s7], [sflag:s8] =	dma.local @!p0 [hbm:s6], $0xF7A  }
0x23: {  	s9 =	sor.u32 $0xD0000000, s2;
	s6 =	simm.s32 $0x108;
	_ =	swait.ge @!p0 [sflag:s8], $0x0  }
0x24: {  	s3 =	sadd.s32 $0x88, s3;
	s6 =	simm.s32 @!p1 $0x1082;
	[sflag:s4] =	ssyncset.s32 $0xFFFFF086  }
0x25: {  	[simem:s6], [sflag:s4] =	dma.local [hbm:s3], $0xF7A  }
0x26: {  	[smem:$0x3F8E] =	sst s1;
	(tag) =	ssettag s2;
	_ =	strace s9  }
0x27: {  	s1 =	sld [smem:$0x3F9E]  }
0x28: {  	s2 =	sld [smem:$0x3F9F]  }
0x29: {  	s4 =	sld [smem:$0x3FA1]  }
0x2a: {  	p0 =	seq.s32 s5, $0x0;
	s5 =	sld [smem:$0x3FA2]  }
0x2b: {  	s6 =	sld [smem:$0x3FA3]  }
0x2c: {  	s7 =	sld [smem:$0x3FA4]  }
0x2d: {  	s3 =	simm.s32 $0x108;
	s8 =	sld [smem:$0x3FA5]  }
0x2e: {  	s3 =	simm.s32 @!p0 $0x1082;
	s9 =	sld [smem:$0x3FA6]  }
0x2f: {  	lr =	sadd.s32 s0, s3;
	s0 =	sld [smem:$0x3F9D]  }
0x30: {  	s3 =	sld [smem:$0x3FA0]  }
0x31: {  	[smem:$0x3FA9] =	sst s10  }
0x32: {  	s10 =	sld [smem:$0x3FA7];
	_ =	sdelay $0x3  }
0x33: {  	p0 =	seq.s32 s10, $0x1;
	s10 =	sld [smem:$0x3FA9];
	_ =	sdelay $0x3  }
0x34: {  	[smem:$0x3FA9] =	sst s10  }
0x35: {  	s10 =	sld [smem:$0x3FA8];
	_ =	sdelay $0x3  }
0x36: {  	p1 =	seq.s32 s10, $0x1;
	s10 =	sld [smem:$0x3FA9];
	_ =	sdelay $0x3  }
0x37: {  	[smem:$0x3FA9] =	sst s10  }
0x38: {  	s10 =	sld [smem:$0x3FAA]  }
0x39: {  	_ = 	snop;
	(pc) =	sbr.ind lr, $3  }
0x3a: {  	_ = 	snop  }
0x3b: {  	_ = 	snop  }
0x3c: {  	p2 =	seq.s32 s10, $0x1;
	s10 =	sld [smem:$0x3FA9]  }
0x3d: {  	_ =	shalt  }
0x3e: {  	_ =	shalt  }
0x3f: {  	_ =	shalt  }
0x40: {  	_ =	shalt  }
0x41: {  	_ =	shalt  }
0x42: {  	_ =	shalt  }
0x43: {  	_ =	shalt  }
0x44: {  	_ =	shalt  }
0x45: {  	_ =	shalt  }
0x46: {  	_ =	shalt  }
0x47: {  	_ =	shalt  }
0x48: {  	_ =	shalt  }
0x49: {  	_ =	shalt  }
0x4a: {  	_ =	shalt  }
0x4b: {  	_ =	shalt  }
0x4c: {  	_ =	shalt  }
0x4d: {  	_ =	shalt  }
0x4e: {  	_ =	shalt  }
0x4f: {  	_ =	shalt  }
0x50: {  	_ =	shalt  }
0x51: {  	_ =	shalt  }
0x52: {  	_ =	shalt  }
0x53: {  	_ =	shalt  }
0x54: {  	_ =	shalt  }
0x55: {  	_ =	shalt  }
0x56: {  	_ =	shalt  }
0x57: {  	_ =	shalt  }
0x58: {  	_ =	shalt  }
0x59: {  	_ =	shalt  }
0x5a: {  	_ =	shalt  }
0x5b: {  	_ =	shalt  }
0x5c: {  	_ =	shalt  }
0x5d: {  	_ =	shalt  }
0x5e: {  	_ =	shalt  }
0x5f: {  	_ =	shalt  }
0x60: {  	_ =	shalt  }
0x61: {  	_ =	shalt  }
0x62: {  	_ =	shalt  }
0x63: {  	_ =	shalt  }
0x64: {  	_ =	shalt  }
0x65: {  	_ =	shalt  }
0x66: {  	_ =	shalt  }
0x67: {  	_ =	shalt  }
0x68: {  	_ =	shalt  }
0x69: {  	_ =	shalt  }
0x6a: {  	_ =	shalt  }
0x6b: {  	_ =	shalt  }
0x6c: {  	_ =	shalt  }
0x6d: {  	_ =	shalt  }
0x6e: {  	_ =	shalt  }
0x6f: {  	_ =	shalt  }
0x70: {  	_ =	shalt  }
0x71: {  	_ =	shalt  }
0x72: {  	_ =	shalt  }
0x73: {  	_ =	shalt  }
0x74: {  	_ =	shalt  }
0x75: {  	_ =	shalt  }
0x76: {  	_ =	shalt  }
0x77: {  	_ =	shalt  }
0x78: {  	_ =	shalt  }
0x79: {  	_ =	shalt  }
0x7a: {  	_ =	shalt  }
0x7b: {  	_ =	shalt  }
0x7c: {  	_ =	shalt  }
0x7d: {  	_ =	shalt  }
0x7e: {  	_ =	shalt  }
0x7f: {  	_ =	shalt  }
0x80: {  	_ =	shalt  }
0x81: {  	_ =	shalt  }
0x82: {  	_ =	shalt  }
0x83: {  	_ =	shalt  }
0x84: {  	_ =	shalt  }
0x85: {  	_ =	shalt  }
0x86: {  	_ =	shalt  }
0x87: {  	_ =	shalt  }
.Lfunc_end0:
.L_simem_size_0:
called_computation_lowered:
.L_overlay_start_0:
0x88: {  	s2 =	sld [smem:$0x3FD9]  }
0x89: {  	s3 =	sld [smem:$0x3FFE];
	_ =	sdelay $0x1  }
0x8a: {  	s1 =	srdreg.scid  }
0x8b: {  	s0 =	sand.u32 $0x1, s1  }
0x8c: {  	s14 =	sshll.u32 s0, $0xA;
	s2 =	sadd.s32 s3, s2  }
0x8d: {  	s2 =	sadd.s32 s2, s14  }
0x8e: {  	[smem:$0x3FB5] =	sst s2  }
0x8f: {  	_ = 	snop  }
0x90: {  	s2 =	sld [smem:$0x3FD0];
	_ =	sdelay $0x2  }
0x91: {  	s15 =	simm.s32 $0xA;
	s4 =	simm.s32 $0x10  }
0x92: {  	[smem:s4], [sflag:s15] =	dma.local [hbm:s2], $0x1  }
0x93: {  	_ =	swait.eq [sflag:s15], $0x1  }
0x94: {  	[sflag:s15] =	ssyncset.done $0x0  }
0x95: {  	s16 =	sld [smem:$0x11];
	[sflag:s15] =	ssyncadd.s32 $0xFFFFFFFF  }
0x96: {  	s17 =	sld [smem:$0x13];
	(tm) =	ssettm $0x1  }
0x97: {  	s18 =	sld [smem:$0x3FFB];
	_ =	sdelay $0x3  }
0x98: {  	_ =	strace s18  }
0x99: {  	s4 =	sld [smem:$0x3FFC];
	_ =	sdelay $0x3  }
0x9a: {  	_ =	strace s4  }
0x9b: {  	s4 =	sld [smem:$0x3FFD];
	_ =	sdelay $0x3  }
0x9c: {  	_ =	strace s4  }
0x9d: {  	_ =	strace $0x8FFFFFFF  }
0x9e: {  	s19 =	sld [smem:$0x3FDB];
	_ =	sdelay $0x1  }
0x9f: {  	s5 =	simm.s32 $_scs_section_size  }
0xa0: {  	s6 =	simm.s32 $_size__tile_overlayer_lowered;
	s7 =	simm.s32 $_tile_overlayer_lowered  }
0xa1: {  	s22 =	simm.s32 $0x1BFF;
	s21 =	sshll.u32 s7, $0x1;
	s4 =	sadd.s32 s5, s19  }
0xa2: {  	s8 =	simm.s32 $0x0;
	s20 =	sshll.u32 s6, $0x1;
	s6 =	sadd.s32 s21, s4  }
0xa3: {  	[timem:s8], [sflag:s22] =	dma.local [hbm:s6], s20  }
0xa4: {  	_ =	swait.ge [sflag:s22], s20  }
0xa5: {  	s5 =	ssub.s32 $0x0, s20;
	[sflag:s22] =	ssyncset.done $0x0  }
0xa6: {  	[sflag:s22] =	ssyncadd.s32 s5;
	_ =	sdelay $0x1  }
0xa7: {  	s23 =	simm.s32 $0x1B8B  }
0xa8: {  	_ =	swait.ge [sflag:s23], $0x1  }
0xa9: {  	[sflag:s23] =	ssyncset.done $0x0  }
0xaa: {  	s25 =	simm.s32 $0x1B8E;
	s24 =	sld [smem:$0x3FFE];
	[sflag:s23] =	ssyncadd.s32 $0xFFFFFFFF  }
0xab: {  	s26 =	simm.s32 $execute0_lowered;
	[smem:$0x3FD2] =	sst s25  }
0xac: {  	s6 =	sshll.u32 s26, $0x1;
	_ =	strace $0x80000046;
	[dreg:$0x1] =	wrdreg $0xFFFFFFFF  }
0xad: {  	s28 =	simm.s32 $_size_execute0_lowered;
	s4 =	sadd.s32 s4, s6;
	[dreg:$0x0] =	wrdreg $0x0  }
0xae: {  	s6 =	sshll.u32 s28, $0x1;
	[dreg:$0x2] =	wrdreg s4  }
0xaf: {  	[dreg:$0x3] =	wrdreg s6  }
0xb0: {  	[dreg:$0x4] =	wrdreg $0xC0  }
0xb1: {  	_ =	task [dreg:s8], $0x5FFFF  }
0xb2: {  	[dreg:$0x1] =	wrdreg $0xFFFFFFFF  }
0xb3: {  	[dreg:$0x0] =	wrdreg $0x60  }
0xb4: {  	[dreg:$0x2] =	wrdreg s17  }
0xb5: {  	[dreg:$0x3] =	wrdreg s16  }
0xb6: {  	[dreg:$0x4] =	wrdreg s24  }
0xb7: {  	[dreg:$0x5] =	wrdreg $0x9  }
0xb8: {  	_ =	task.clear_ibuf [dreg:s8], $0x6FFFF;
	_ =	strace $0x90000046  }
0xb9: {  	s29 =	simm.s32 $0x9;
	_ =	strace $0x80000048  }
0xba: {  	_ =	swait.ge [sflag:s29], $0x1  }
0xbb: {  	[sflag:s29] =	ssyncadd.s32 $0xFFFFFFFF  }
0xbc: {  	_ =	strace $0x90000048  }
0xbd: {  	_ =	sfence  }
0xbe: {  	s30 =	sld [smem:$0x0];
	_ =	sdelay $0x2  }
0xbf: {  	s31 =	sshll.u32 s1, $0xD;
	s1 =	sshrl.u32 s1, $0x2  }
0xc0: {  	s3 =	sand.u32 $0x4000, s31;
	s1 =	sadd.s32 s1, s30  }
0xc1: {  	s0 =	sor.u32 s3, s0;
	s1 =	sshll.u32 s1, $0x11  }
0xc2: {  	s0 =	sor.u32 s1, s0  }
0xc3: {  	s0 =	sadd.s32 $0x8F2B, s0  }
0xc4: {  	[sflag:s0] =	ssyncadd.remote.s32 $0x1  }
0xc5: {  	_ =	sfence.sel $0xFFFF  }
0xc6: {  	[dreg:$0x0] =	wrdreg $0xFFFFFFFF;
	(pc) =	sbr.abs _section_cstart, $3  }
0xc7: {  	[dreg:$0x1] =	wrdreg $0xFFFFFFFF  }
0xc8: {  	_ =	task.clear_ibuf [dreg:s8], $0x2FFFF;
	_ =	strace $0x9FFFFFFF  }
0xc9: {  	(tm) =	ssettm $0x7FFFFFFF  }
tec
execute0_lowered:
.L_overlay_start_1:
0x0: {  	(tag) =	ssettag $0x1  }
0x1: {  	s6 =	rddreg [dreg:$0x0]  }
0x2: {  	s2 =	rddreg [dreg:$0x1]  }
0x3: {  	s1 =	srdreg.scid;
	s0 =	stileid.u32  }
0x4: {  	s4 =	rddreg [dreg:$0x2];
	s5 =	sand.u32 $0x1, s1;
	s7 =	sshll.u32 s0, $0x1  }
0x5: {  	s3 =	simm.s32 $0x0;
	s1 =	rddreg [dreg:$0x3];
	s7 =	sor.u32 s5, s7  }
0x6: {  	[smem:$0x7FF] =	sst s3;
	s8 =	smul.u32 $0x1900, s7  }
0x7: {  	s9 =	smul.u32 $0x6400, s7;
	s7 =	sshllo.u32 s7, $0x1  }
0x8: {  	s11 =	sadd.s32 $0x4000, s4;
	s5 =	ssub.s32 $0x2, s5;
	s10 =	smul.u32 $0xC80, s7  }
0x9: {  	_ =	strace $0x80000047;
	s31 =	sshrl.u32 s5, $0x1;
	s7 =	smul.u32 $0x3200, s7  }
0xa: {  	s12 =	ssub.s32 s5, s31;
	s4 =	sadd.s32 s6, s8;
	s5 =	sadd.s32 s11, s9  }
0xb: {  	v1 =	vlaneseq.u32;
	s8 =	smax.u32 s12, $0x1;
	s9 =	simm.s32 $0x1;
	s6 =	sadd.s32 s6, s10  }
0xc: {  	v2 =	vimm.f32 $1.000000000e+00;
	v0 =	vmul.u32 $0x640, v1;
	v1 =	vmul.u32 $0x1900, v1;
	s7 =	sadd.s32 s11, s7;
	s10 =	simm.s32 $0x6400;
	s11 =	simm.s32 $0x0  }
.LBB2_1:
0xd: {  	[tilespmem:s3], [sflag:$0x1] =	stream.linear.gather [hbm4b:s4+s3], $0x6400, $0x38;
	[tilespmem:$0x1F400] =	vst v63  }
0xe: {  	_ =	swait.ge [sflag:s9], $0x6400  }
0xf: {  	s12 =	simm.s32 $0x2;
	[sflag:s9] =	ssyncset.done $0x0  }
0x10: {  	s13 =	simm.s32 $0x3;
	s22 =	simm.s32 $0x323;
	v3 =	vadd.s32 s12, v0;
	[sflag:s9] =	ssyncadd.s32 $0xFFFF9C00  }
0x11: {  	v4 =	vadd.s32 s13, v0;
	[tilespmem:s10], [sflag:$0x1] =	stream.linear.gather [hbm4b:s2+s3], $0x19000, $0x38;
	[tilespmem:$0x1F400] =	vst v63  }
0x12: {  	s23 =	simm.s32 $0x1;
	v5 =	vadd.s32 s22, v0;
	_ =	swait.ge [sflag:s9], $0x19000  }
0x13: {  	s24 =	simm.s32 $0x327;
	v6 =	vadd.s32 s23, v0;
	[sflag:s9] =	ssyncset.done $0x0  }
0x14: {  	s25 =	simm.s32 $0x325;
	v7 =	vadd.s32 s24, v0;
	[sflag:s9] =	ssyncadd.s32 $0xFFFE7000  }
0x15: {  	s26 =	simm.s32 $0x322;
	v8 =	vadd.s32 s25, v0;
	v3 =	vld.idx.msk [tilespmem:v3+s3+$0x0], $0xffff  }
0x16: {  	s28 =	simm.s32 $0x324;
	v9 =	vadd.s32 s26, v0;
	v4 =	vld.idx.msk [tilespmem:v4+s3+$0x0], $0xffff  }
0x17: {  	s29 =	simm.s32 $0x4;
	v10 =	vadd.s32 s28, v0;
	v11 =	vld.idx.msk [tilespmem:v5+s3+$0x0], $0xffff  }
0x18: {  	v12 =	vadd.s32 s29, v0;
	s13 =	simm.s32 $0x5;
	v6 =	vld.idx.msk [tilespmem:v6+s3+$0x0], $0xffff  }
0x19: {  	s30 =	simm.s32 $0x6;
	s15 =	simm.s32 $0x321;
	v16 =	vadd.s32 s13, v0;
	v7 =	vld.idx.msk [tilespmem:v7+s3+$0x0], $0xffff  }
0x1a: {  	s31 =	simm.s32 $0x7;
	s14 =	simm.s32 $0x326;
	v13 =	vadd.s32 s30, v0;
	v18 =	vadd.s32 s15, v0;
	v5 =	vld.idx.msk [tilespmem:v8+s3+$0x0], $0xffff  }
0x1b: {  	s18 =	simm.s32 $0x32B;
	s19 =	simm.s32 $0xC;
	s20 =	simm.s32 $0xE;
	v14 =	vadd.s32 s31, v0;
	v15 =	vadd.s32 s14, v0;
	v17 =	vadd.s32 s3, v0;
	v9 =	vld.idx.msk [tilespmem:v9+s3+$0x0], $0xffff  }
0x1c: {  	s21 =	simm.s32 $0xF;
	v26 =	vadd.s32 s18, v0;
	v29 =	vadd.s32 s19, v0;
	s15 =	simm.s32 $0x32C;
	v31 =	vadd.s32 s20, v0;
	s23 =	simm.s32 $0x32D;
	v10 =	vld.idx.msk [tilespmem:v10+s3+$0x0], $0xffff  }
0x1d: {  	v32 =	vadd.s32 s21, v0;
	s24 =	simm.s32 $0x32F;
	s29 =	simm.s32 $0x328;
	s31 =	simm.s32 $0x329;
	v33 =	vadd.s32 s15, v0;
	v34 =	vadd.s32 s23, v0;
	v12 =	vld.idx.msk [tilespmem:v12+s3+$0x0], $0xffff  }
0x1e: {  	s14 =	simm.s32 $0x320;
	v35 =	vadd.s32 s24, v0;
	v58 =	vadd.s32 s29, v0;
	v59 =	vadd.s32 s31, v0;
	v16 =	vld.idx.msk [tilespmem:v16+s3+$0x0], $0xffff  }
0x1f: {  	v8 =	vadd.s32 s14, v0;
	v18 =	vld.idx.msk [tilespmem:v18+s3+$0x0], $0xffff;
	v3 =	vshll.u32 v3, $0x7;
	v4 =	vshll.u32 v4, $0x7  }
0x20: {  	v14 =	vld.idx.msk [tilespmem:v14+s3+$0x0], $0xffff;
	v19 =	vand.u32 $0xFFFFFF80, v11;
	v20 =	vshll.u32 v11, $0x7;
	v11 =	vand.u32 $0x7F, v11  }
0x21: {  	v6 =	vshll.u32 v6, $0x7;
	v21 =	vand.u32 $0xFFFFFF80, v7;
	v22 =	vand.u32 $0xFFFFFF80, v9  }
0x22: {  	s17 =	simm.s32 $0xA;
	v23 =	vand.u32 $0x7F, v9;
	v24 =	vand.u32 $0x7F, v10;
	v9 =	vshll.u32 v9, $0x7  }
0x23: {  	v12 =	vshll.u32 v12, $0x7;
	v25 =	vshll.u32 v16, $0x7;
	v16 =	vadd.s32 s17, v0  }
0x24: {  	v17 =	vld.idx.msk [tilespmem:v17+s3+$0x0], $0xffff;
	v27 =	vshll.u32 v5, $0x7;
	v28 =	vshll.u32 v18, $0x7;
	v4 =	vadd.s32 v1, v4  }
0x25: {  	v13 =	vld.idx.msk [tilespmem:v13+s3+$0x0], $0xffff;
	v14 =	vshll.u32 v14, $0x7;
	v3 =	vadd.s32 v1, v3;
	v4 =	vadd.s32 v19, v4  }
0x26: {  	v15 =	vld.idx.msk [tilespmem:v15+s3+$0x0], $0xffff;
	v6 =	vadd.s32 v1, v6;
	v3 =	vadd.s32 v22, v3;
	v4 =	vor.u32 v11, v4  }
0x27: {  	s16 =	simm.s32 $0x9;
	v57 =	vld.idx.msk [tilespmem:v35+s3+$0x0], $0xffff;
	v9 =	vadd.s32 v1, v9;
	v27 =	vadd.s32 v1, v27;
	v3 =	vor.u32 v23, v3  }
0x28: {  	v29 =	vld.idx.msk [tilespmem:v29+s3+$0x0], $0xffff;
	v19 =	vand.u32 $0x7F, v7;
	v11 =	vadd.s32 v1, v20;
	v23 =	vadd.s32 s16, v0  }
0x29: {  	v8 =	vld.idx.msk [tilespmem:v8+s3+$0x0], $0xffff;
	v22 =	vand.u32 $0xFFFFFF80, v10;
	v7 =	vshll.u32 v7, $0x7;
	v11 =	vor.u32 $0x40, v11  }
0x2a: {  	s22 =	simm.s32 $0xB;
	v10 =	vshll.u32 v10, $0x7;
	v20 =	vand.u32 $0xFFFFFF80, v5;
	v7 =	vadd.s32 v1, v7;
	v16 =	vld.idx.msk [tilespmem:v16+s3+$0x0], $0xffff  }
0x2b: {  	v10 =	vadd.s32 v1, v10;
	[tilespmem:v4+s10+$0x0] =	vst.idx.add.f32.msk $0xffff, v2;
	v4 =	vadd.s32 v1, v12;
	v12 =	vadd.s32 s22, v0  }
0x2c: {  	[tilespmem:v3+s10+$0x0] =	vst.idx.add.f32.msk $0xffff, v2;
	v3 =	vor.u32 $0x40, v10;
	v10 =	vadd.s32 v1, v14;
	v4 =	vadd.s32 v22, v4  }
0x2d: {  	v23 =	vld.idx.msk [tilespmem:v23+s3+$0x0], $0xffff;
	v10 =	vadd.s32 v21, v10;
	v24 =	vor.u32 v24, v4;
	v4 =	vshll.u32 v17, $0x7  }
0x2e: {  	v22 =	vand.u32 $0xFFFFFF80, v8;
	[tilespmem:v11+s10+$0x0] =	vst.idx.add.f32.msk $0xffff, v2;
	v36 =	vor.u32 v19, v10;
	v4 =	vadd.s32 v1, v4  }
0x2f: {  	v30 =	vand.u32 $0x7F, v8;
	v11 =	vshll.u32 v13, $0x7;
	v17 =	vld.idx.msk [tilespmem:v26+s3+$0x0], $0xffff;
	v14 =	vadd.s32 v22, v4  }
0x30: {  	v21 =	vand.u32 $0xFFFFFF80, v15;
	v11 =	vadd.s32 v1, v11;
	v13 =	vor.u32 v30, v14;
	v12 =	vld.idx.msk [tilespmem:v12+s3+$0x0], $0xffff  }
0x31: {  	s28 =	simm.s32 $0x8;
	s30 =	simm.s32 $0x32A;
	v26 =	vadd.s32 v1, v28;
	v28 =	vand.u32 $0x7F, v15;
	v16 =	vshll.u32 v16, $0x7;
	v10 =	vld.idx.msk [tilespmem:v32+s3+$0x0], $0xffff  }
0x32: {  	s25 =	simm.s32 $0x32E;
	s26 =	simm.s32 $0xD;
	v19 =	vadd.s32 s30, v0;
	[tilespmem:v24+s10+$0x0] =	vst.idx.add.f32.msk $0xffff, v2;
	v24 =	vor.u32 $0x40, v7;
	v7 =	vadd.s32 s28, v0  }
0x33: {  	v11 =	vadd.s32 v21, v11;
	v4 =	vadd.s32 s25, v0;
	v14 =	vadd.s32 s26, v0;
	[tilespmem:v36+s10+$0x0] =	vst.idx.add.f32.msk $0xffff, v2  }
0x34: {  	v22 =	vand.u32 $0x7F, v18;
	v11 =	vor.u32 v28, v11;
	v28 =	vadd.s32 v1, v16;
	[tilespmem:v3+s10+$0x0] =	vst.idx.add.f32.msk $0xffff, v2  }
0x35: {  	v16 =	vshll.u32 v17, $0x7;
	[tilespmem:v13+s10+$0x0] =	vst.idx.add.f32.msk $0xffff, v2;
	v13 =	vshll.u32 v15, $0x7;
	v12 =	vshll.u32 v12, $0x7  }
0x36: {  	v3 =	vld.idx.msk [tilespmem:v34+s3+$0x0], $0xffff;
	v15 =	vand.u32 $0xFFFFFF80, v17;
	v17 =	vand.u32 $0x7F, v17;
	v21 =	vadd.s32 v1, v12  }
0x37: {  	v12 =	vld.idx.msk [tilespmem:v7+s3+$0x0], $0xffff;
	v7 =	vadd.s32 v1, v13;
	v13 =	vadd.s32 v15, v21;
	v15 =	vand.u32 $0xFFFFFF80, v18  }
0x38: {  	v62 =	vld.idx.msk [tilespmem:v14+s3+$0x0], $0xffff;
	v14 =	vand.u32 $0x7F, v57;
	v60 =	vor.u32 v17, v13;
	v6 =	vadd.s32 v15, v6  }
0x39: {  	v21 =	vld.idx.msk [tilespmem:v33+s3+$0x0], $0xffff;
	v61 =	vor.u32 $0x40, v7;
	v15 =	vadd.s32 v1, v16;
	v16 =	vor.u32 $0x40, v26  }
0x3a: {  	v7 =	vshll.u32 v8, $0x7;
	v8 =	vadd.s32 v1, v25;
	v18 =	vor.u32 v22, v6;
	v22 =	vld.idx.msk [tilespmem:v19+s3+$0x0], $0xffff  }
0x3b: {  	[tilespmem:v11+s10+$0x0] =	vst.idx.add.f32.msk $0xffff, v2;
	v26 =	vshll.u32 v29, $0x7;
	v6 =	vshll.u32 v23, $0x7;
	v23 =	vand.u32 $0x7F, v5  }
0x3c: {  	[tilespmem:v24+s10+$0x0] =	vst.idx.add.f32.msk $0xffff, v2;
	v19 =	vor.u32 $0x40, v27;
	v5 =	vand.u32 $0xFFFFFF80, v3;
	v17 =	vadd.s32 v1, v7  }
0x3d: {  	v13 =	vld.idx.msk [tilespmem:v31+s3+$0x0], $0xffff;
	v20 =	vadd.s32 v20, v8;
	v15 =	vor.u32 $0x40, v15;
	v63 =	vor.u32 $0x40, v17  }
0x3e: {  	v7 =	vld.idx.msk [tilespmem:v58+s3+$0x0], $0xffff;
	v27 =	vor.u32 $0x40, v9;
	v6 =	vadd.s32 v1, v6;
	v17 =	vand.u32 $0xFFFFFF80, v57  }
0x3f: {  	v8 =	vld.idx.msk [tilespmem:v59+s3+$0x0], $0xffff;
	v25 =	vor.u32 v23, v20;
	v23 =	vand.u32 $0x7F, v21;
	v9 =	vand.u32 $0xFFFFFF80, v22  }
0x40: {  	v24 =	vand.u32 $0xFFFFFF80, v21;
	[tilespmem:v60+s10+$0x0] =	vst.idx.add.f32.msk $0xffff, v2;
	v11 =	vand.u32 $0x7F, v22;
	v9 =	vadd.s32 v9, v28  }
0x41: {  	[tilespmem:v61+s10+$0x0] =	vst.idx.add.f32.msk $0xffff, v2;
	v20 =	vshll.u32 v22, $0x7;
	v28 =	vshll.u32 v57, $0x7;
	v22 =	vor.u32 v11, v9  }
0x42: {  	s16 =	simm.s32 $0x10;
	[tilespmem:v63+s10+$0x0] =	vst.idx.add.f32.msk $0xffff, v2;
	v9 =	vadd.s32 v1, v20;
	v11 =	vshll.u32 v62, $0x7;
	v20 =	vadd.s32 v1, v28  }
.LBB2_2:
0x43: {  	s12 =	sadd.s32 $0x1, s16  }
0x44: {  	s14 =	sadd.s32 $0x2, s16;
	s17 =	sadd.s32 $0x3, s16;
	v21 =	vshll.u32 v21, $0x7;
	v28 =	vshll.u32 v3, $0x7;
	[tilespmem:v27+s10+$0x0] =	vst.idx.add.f32.msk $0xffff, v2;
	s15 =	smov.u32 s16  }
0x45: {  	s13 =	sadd.s32 $0x321, s16;
	s18 =	sadd.s32 $0x4, s16;
	v30 =	vshll.u32 v8, $0x7;
	v27 =	vadd.s32 s12, v0;
	v29 =	vadd.s32 s14, v0;
	s12 =	sadd.s32 $0x323, s16;
	[tilespmem:v25+s10+$0x0] =	vst.idx.add.f32.msk $0xffff, v2  }
0x46: {  	v32 =	vand.u32 $0x7F, v7;
	s14 =	sadd.s32 $0x322, s16;
	v31 =	vadd.s32 s18, v0;
	s18 =	sadd.s32 $0x7, s16;
	v25 =	vadd.s32 s12, v0;
	s12 =	sadd.s32 $0x6, s16;
	[tilespmem:v18+s10+$0x0] =	vst.idx.add.f32.msk $0xffff, v2  }
0x47: {  	s19 =	sadd.s32 $0x324, s16;
	s20 =	sadd.s32 $0x325, s16;
	s21 =	sadd.s32 $0x326, s16;
	v26 =	vadd.s32 v1, v26;
	v33 =	vadd.s32 s18, v0;
	v18 =	vadd.s32 s12, v0;
	[tilespmem:v19+s10+$0x0] =	vst.idx.add.f32.msk $0xffff, v2  }
0x48: {  	v35 =	vand.u32 $0xFFFFFF80, v7;
	v34 =	vadd.s32 s20, v0;
	s18 =	sadd.s32 $0x5, s15;
	v19 =	vadd.s32 s19, v0;
	s19 =	sadd.s32 $0x327, s15;
	s12 =	sadd.s32 $0x8, s16;
	[tilespmem:v16+s10+$0x0] =	vst.idx.add.f32.msk $0xffff, v2  }
0x49: {  	p0 =	slt.u32 s16, $0x318;
	v24 =	vadd.s32 v24, v26;
	v16 =	vadd.s32 s17, v0;
	v36 =	vadd.s32 s19, v0;
	v26 =	vld.idx.msk [tilespmem:v4+s3+$0x0], $0xffff  }
0x4a: {  	v10 =	vshll.u32 v10, $0x7;
	v23 =	vor.u32 v23, v24;
	v4 =	vadd.s32 v1, v21;
	v27 =	vld.idx.msk [tilespmem:v27+s3+$0x0], $0xffff  }
0x4b: {  	v12 =	vshll.u32 v12, $0x7;
	v10 =	vadd.s32 v1, v10;
	v24 =	vor.u32 $0x40, v4;
	v21 =	vld.idx.msk [tilespmem:v29+s3+$0x0], $0xffff  }
0x4c: {  	v13 =	vshll.u32 v13, $0x7;
	v12 =	vadd.s32 v1, v12;
	v4 =	vadd.s32 s21, v0;
	v25 =	vld.idx.msk [tilespmem:v25+s3+$0x0], $0xffff  }
0x4d: {  	v13 =	vadd.s32 v1, v13;
	v12 =	vadd.s32 v35, v12;
	v29 =	vadd.s32 s18, v0;
	[tilespmem:v22+s10+$0x0] =	vst.idx.add.f32.msk $0xffff, v2  }
0x4e: {  	v10 =	vadd.s32 v17, v10;
	v12 =	vor.u32 v32, v12;
	v22 =	vand.u32 $0x7F, v8;
	[tilespmem:v15+s10+$0x0] =	vst.idx.add.f32.msk $0xffff, v2  }
0x4f: {  	v20 =	vor.u32 $0x40, v20;
	v17 =	vand.u32 $0xFFFFFF80, v26;
	v15 =	vld.idx.msk [tilespmem:v16+s3+$0x0], $0xffff;
	v16 =	vadd.s32 v1, v30  }
0x50: {  	v35 =	vand.u32 $0x7F, v26;
	v30 =	vadd.s32 s15, v0;
	s15 =	sadd.s32 $0x320, s15;
	v13 =	vadd.s32 v17, v13;
	v32 =	vld.idx.msk [tilespmem:v36+s3+$0x0], $0xffff  }
0x51: {  	v17 =	vadd.s32 s15, v0;
	v21 =	vshll.u32 v21, $0x7;
	[tilespmem:v23+s10+$0x0] =	vst.idx.add.f32.msk $0xffff, v2;
	v23 =	vor.u32 v35, v13  }
0x52: {  	v14 =	vor.u32 v14, v10;
	v35 =	vadd.s32 v1, v21;
	v13 =	vshll.u32 v25, $0x7;
	v31 =	vld.idx.msk [tilespmem:v31+s3+$0x0], $0xffff  }
0x53: {  	v36 =	vadd.s32 s14, v0;
	v21 =	vshll.u32 v26, $0x7;
	[tilespmem:v24+s10+$0x0] =	vst.idx.add.f32.msk $0xffff, v2;
	v24 =	vadd.s32 v1, v28  }
0x54: {  	v26 =	vadd.s32 s13, v0;
	[tilespmem:v12+s10+$0x0] =	vst.idx.add.f32.msk $0xffff, v2  }
0x55: {  	v12 =	vshll.u32 v15, $0x7;
	v15 =	vand.u32 $0xFFFFFF80, v25;
	v10 =	vld.idx.msk [tilespmem:v33+s3+$0x0], $0xffff  }
0x56: {  	v25 =	vand.u32 $0x7F, v25;
	v28 =	vadd.s32 v1, v12;
	v33 =	vld.idx.msk [tilespmem:v34+s3+$0x0], $0xffff;
	v34 =	vadd.s32 v1, v21  }
0x57: {  	v8 =	vand.u32 $0xFFFFFF80, v8;
	v15 =	vadd.s32 v15, v28;
	v12 =	vld.idx.msk [tilespmem:v30+s3+$0x0], $0xffff  }
0x58: {  	v6 =	vadd.s32 v8, v6;
	v28 =	vor.u32 v25, v15;
	v30 =	vor.u32 $0x40, v34;
	v21 =	vld.idx.msk [tilespmem:v19+s3+$0x0], $0xffff  }
0x59: {  	v8 =	vadd.s32 v1, v13;
	v13 =	vld.idx.msk [tilespmem:v18+s3+$0x0], $0xffff;
	v18 =	vor.u32 v22, v6  }
0x5a: {  	v16 =	vor.u32 $0x40, v16;
	v6 =	vshll.u32 v27, $0x7;
	v22 =	vld.idx.msk [tilespmem:v36+s3+$0x0], $0xffff  }
0x5b: {  	v25 =	vand.u32 $0x7F, v3;
	v19 =	vor.u32 $0x40, v24;
	v29 =	vld.idx.msk [tilespmem:v29+s3+$0x0], $0xffff  }
0x5c: {  	v27 =	vshll.u32 v7, $0x7;
	v7 =	vadd.s32 v1, v11;
	v6 =	vadd.s32 v1, v6;
	[tilespmem:v14+s10+$0x0] =	vst.idx.add.f32.msk $0xffff, v2  }
0x5d: {  	v24 =	vadd.s32 v1, v27;
	v11 =	vadd.s32 v5, v7;
	v5 =	vand.u32 $0xFFFFFF80, v33;
	[tilespmem:v23+s10+$0x0] =	vst.idx.add.f32.msk $0xffff, v2  }
0x5e: {  	v15 =	vor.u32 $0x40, v8;
	v34 =	vor.u32 $0x40, v24;
	v3 =	vmovc v33;
	v14 =	vand.u32 $0x7F, v32;
	v7 =	vld.idx.msk [tilespmem:v17+s3+$0x0], $0xffff  }
.Ltmp0:
0x5f: {  	v27 =	vor.u32 $0x40, v9;
	v25 =	vor.u32 v25, v11;
	v17 =	vand.u32 $0xFFFFFF80, v32;
	v8 =	vld.idx.msk [tilespmem:v26+s3+$0x0], $0xffff;
	(pc) =	sbr.rel @p0 .LBB2_2-.Ltmp0, $4  }
0x60: {  	v23 =	vand.u32 $0x7F, v21;
	v9 =	vand.u32 $0xFFFFFF80, v22;
	v11 =	vand.u32 $0x7F, v22;
	[tilespmem:v20+s10+$0x0] =	vst.idx.add.f32.msk $0xffff, v2  }
0x61: {  	v26 =	vshll.u32 v31, $0x7;
	v9 =	vadd.s32 v9, v35;
	v20 =	vshll.u32 v22, $0x7;
	[tilespmem:v28+s10+$0x0] =	vst.idx.add.f32.msk $0xffff, v2  }
0x62: {  	v24 =	vand.u32 $0xFFFFFF80, v21;
	v22 =	vor.u32 v11, v9;
	v28 =	vshll.u32 v32, $0x7;
	[tilespmem:v30+s10+$0x0] =	vst.idx.add.f32.msk $0xffff, v2  }
0x63: {  	s16 =	smov.u32 s12;
	v9 =	vadd.s32 v1, v20;
	v11 =	vshll.u32 v29, $0x7;
	v20 =	vadd.s32 v1, v28;
	[tilespmem:v34+s10+$0x0] =	vst.idx.add.f32.msk $0xffff, v2  }
0x64: {  	_ =	sdelay $0x3  }
0x65: {  	[tilespmem:v27+s10+$0x0] =	vst.idx.add.f32.msk $0xffff, v2  }
0x66: {  	v4 =	vld.idx.msk [tilespmem:v4+s3+$0x0], $0xffff  }
0x67: {  	v26 =	vadd.s32 v1, v26;
	[tilespmem:v25+s10+$0x0] =	vst.idx.add.f32.msk $0xffff, v2  }
0x68: {  	v21 =	vshll.u32 v21, $0x7;
	v25 =	vand.u32 $0x7F, v7;
	[tilespmem:v18+s10+$0x0] =	vst.idx.add.f32.msk $0xffff, v2;
	v10 =	vshll.u32 v10, $0x7  }
0x69: {  	v12 =	vshll.u32 v12, $0x7;
	v13 =	vshll.u32 v13, $0x7;
	[tilespmem:v15+s10+$0x0] =	vst.idx.add.f32.msk $0xffff, v2;
	v15 =	vshll.u32 v3, $0x7  }
0x6a: {  	[tilespmem:v22+s10+$0x0] =	vst.idx.add.f32.msk $0xffff, v2;
	v11 =	vadd.s32 v1, v11;
	v3 =	vand.u32 $0x7F, v3;
	v9 =	vor.u32 $0x40, v9  }
0x6b: {  	v24 =	vadd.s32 v24, v26;
	v26 =	vand.u32 $0xFFFFFF80, v7;
	v18 =	vadd.s32 v1, v21;
	[tilespmem:v19+s10+$0x0] =	vst.idx.add.f32.msk $0xffff, v2  }
0x6c: {  	v12 =	vadd.s32 v1, v12;
	v5 =	vadd.s32 v5, v11;
	v23 =	vor.u32 v23, v24  }
0x6d: {  	v10 =	vadd.s32 v1, v10;
	v12 =	vadd.s32 v26, v12;
	v3 =	vor.u32 v3, v5  }
0x6e: {  	v13 =	vadd.s32 v1, v13;
	v10 =	vadd.s32 v17, v10;
	v12 =	vor.u32 v25, v12  }
0x6f: {  	[tilespmem:v16+s10+$0x0] =	vst.idx.add.f32.msk $0xffff, v2;
	v18 =	vor.u32 $0x40, v18;
	v10 =	vor.u32 v14, v10;
	v16 =	vand.u32 $0xFFFFFF80, v4  }
0x70: {  	v17 =	vand.u32 $0x7F, v4;
	v4 =	vshll.u32 v4, $0x7;
	[tilespmem:v9+s10+$0x0] =	vst.idx.add.f32.msk $0xffff, v2;
	v13 =	vadd.s32 v16, v13  }
0x71: {  	v7 =	vshll.u32 v7, $0x7;
	v4 =	vadd.s32 v1, v4;
	v13 =	vor.u32 v17, v13;
	[tilespmem:v23+s10+$0x0] =	vst.idx.add.f32.msk $0xffff, v2  }
0x72: {  	v7 =	vadd.s32 v1, v7;
	v4 =	vor.u32 $0x40, v4;
	[tilespmem:v3+s10+$0x0] =	vst.idx.add.f32.msk $0xffff, v2  }
0x73: {  	v5 =	vshll.u32 v8, $0x7;
	v14 =	vor.u32 $0x40, v20;
	v7 =	vor.u32 $0x40, v7;
	[tilespmem:v12+s10+$0x0] =	vst.idx.add.f32.msk $0xffff, v2  }
0x74: {  	v12 =	vand.u32 $0xFFFFFF80, v8;
	[tilespmem:v10+s10+$0x0] =	vst.idx.add.f32.msk $0xffff, v2;
	v10 =	vand.u32 $0x7F, v8;
	v8 =	vadd.s32 v1, v15  }
0x75: {  	[tilespmem:v18+s10+$0x0] =	vst.idx.add.f32.msk $0xffff, v2;
	v6 =	vadd.s32 v12, v6;
	v8 =	vor.u32 $0x40, v8  }
0x76: {  	v5 =	vadd.s32 v1, v5;
	v6 =	vor.u32 v10, v6;
	[tilespmem:v13+s10+$0x0] =	vst.idx.add.f32.msk $0xffff, v2  }
0x77: {  	[tilespmem:v4+s10+$0x0] =	vst.idx.add.f32.msk $0xffff, v2;
	v4 =	vor.u32 $0x40, v5  }
0x78: {  	[tilespmem:v14+s10+$0x0] =	vst.idx.add.f32.msk $0xffff, v2  }
0x79: {  	[tilespmem:v7+s10+$0x0] =	vst.idx.add.f32.msk $0xffff, v2  }
0x7a: {  	[tilespmem:v8+s10+$0x0] =	vst.idx.add.f32.msk $0xffff, v2  }
0x7b: {  	[tilespmem:v6+s10+$0x0] =	vst.idx.add.f32.msk $0xffff, v2  }
0x7c: {  	s12 =	simm.s32 $0x0;
	[tilespmem:v4+s10+$0x0] =	vst.idx.add.f32.msk $0xffff, v2  }
0x7d: {  	[hbm4b:s5+s12] =	stream.linear.scatter [tilespmem:s10], [sflag:$0x1], $0x19000, $0x38;
	[tilespmem:$0x1F400] =	vst v63  }
0x7e: {  	_ =	swait.ge [sflag:s9], $0x19000  }
0x7f: {  	[sflag:s9] =	ssyncset.done $0x0  }
0x80: {  	[sflag:s9] =	ssyncadd.s32 $0xFFFE7000  }
0x81: {  	[tilespmem:s12], [sflag:$0x1] =	stream.linear.gather [hbm4b:s6+s12], $0x6400, $0x38;
	[tilespmem:$0x1F400] =	vst v63  }
0x82: {  	_ =	swait.ge [sflag:s9], $0x6400  }
0x83: {  	s13 =	simm.s32 $0x2;
	[sflag:s9] =	ssyncset.done $0x0  }
0x84: {  	s14 =	simm.s32 $0x3;
	s21 =	simm.s32 $0x323;
	v3 =	vadd.s32 s13, v0;
	[sflag:s9] =	ssyncadd.s32 $0xFFFF9C00  }
0x85: {  	v4 =	vadd.s32 s14, v0;
	[tilespmem:s10], [sflag:$0x1] =	stream.linear.gather [hbm4b:s2+s12], $0x19000, $0x38;
	[tilespmem:$0x1F400] =	vst v63  }
0x86: {  	s22 =	simm.s32 $0x1;
	v5 =	vadd.s32 s21, v0;
	_ =	swait.ge [sflag:s9], $0x19000  }
0x87: {  	s23 =	simm.s32 $0x327;
	v6 =	vadd.s32 s22, v0;
	[sflag:s9] =	ssyncset.done $0x0  }
0x88: {  	s24 =	simm.s32 $0x325;
	v7 =	vadd.s32 s23, v0;
	[sflag:s9] =	ssyncadd.s32 $0xFFFE7000  }
0x89: {  	s25 =	simm.s32 $0x322;
	v8 =	vadd.s32 s24, v0;
	v3 =	vld.idx.msk [tilespmem:v3+s3+$0x0], $0xffff  }
0x8a: {  	s26 =	simm.s32 $0x324;
	v9 =	vadd.s32 s25, v0;
	v4 =	vld.idx.msk [tilespmem:v4+s3+$0x0], $0xffff  }
0x8b: {  	s28 =	simm.s32 $0x4;
	v10 =	vadd.s32 s26, v0;
	v11 =	vld.idx.msk [tilespmem:v5+s3+$0x0], $0xffff  }
0x8c: {  	s31 =	simm.s32 $0x5;
	v12 =	vadd.s32 s28, v0;
	v6 =	vld.idx.msk [tilespmem:v6+s3+$0x0], $0xffff  }
0x8d: {  	s18 =	simm.s32 $0xC;
	v16 =	vadd.s32 s31, v0;
	s14 =	simm.s32 $0x321;
	v7 =	vld.idx.msk [tilespmem:v7+s3+$0x0], $0xffff  }
0x8e: {  	s30 =	simm.s32 $0x7;
	s19 =	simm.s32 $0xE;
	s20 =	simm.s32 $0xF;
	v29 =	vadd.s32 s18, v0;
	v18 =	vadd.s32 s14, v0;
	v5 =	vld.idx.msk [tilespmem:v8+s3+$0x0], $0xffff  }
0x8f: {  	s17 =	simm.s32 $0x32B;
	v31 =	vadd.s32 s19, v0;
	v32 =	vadd.s32 s20, v0;
	s31 =	simm.s32 $0x329;
	v14 =	vadd.s32 s30, v0;
	v9 =	vld.idx.msk [tilespmem:v9+s3+$0x0], $0xffff  }
0x90: {  	s29 =	simm.s32 $0x6;
	s15 =	simm.s32 $0x326;
	v26 =	vadd.s32 s17, v0;
	v17 =	vadd.s32 s12, v0;
	v59 =	vadd.s32 s31, v0;
	s23 =	simm.s32 $0x32D;
	v10 =	vld.idx.msk [tilespmem:v10+s3+$0x0], $0xffff  }
0x91: {  	v15 =	vadd.s32 s15, v0;
	v34 =	vadd.s32 s23, v0;
	v13 =	vadd.s32 s29, v0;
	s29 =	simm.s32 $0x328;
	s24 =	simm.s32 $0x32F;
	s22 =	simm.s32 $0x32C;
	v12 =	vld.idx.msk [tilespmem:v12+s3+$0x0], $0xffff  }
0x92: {  	s13 =	simm.s32 $0x320;
	v58 =	vadd.s32 s29, v0;
	v35 =	vadd.s32 s24, v0;
	v33 =	vadd.s32 s22, v0;
	v16 =	vld.idx.msk [tilespmem:v16+s3+$0x0], $0xffff  }
0x93: {  	v8 =	vadd.s32 s13, v0;
	v18 =	vld.idx.msk [tilespmem:v18+s3+$0x0], $0xffff;
	v3 =	vshll.u32 v3, $0x7;
	v4 =	vshll.u32 v4, $0x7  }
0x94: {  	v14 =	vld.idx.msk [tilespmem:v14+s3+$0x0], $0xffff;
	v19 =	vand.u32 $0xFFFFFF80, v11;
	v20 =	vshll.u32 v11, $0x7;
	v11 =	vand.u32 $0x7F, v11  }
0x95: {  	v6 =	vshll.u32 v6, $0x7;
	v21 =	vand.u32 $0xFFFFFF80, v7;
	v22 =	vand.u32 $0xFFFFFF80, v9  }
0x96: {  	s16 =	simm.s32 $0xA;
	v23 =	vand.u32 $0x7F, v9;
	v24 =	vand.u32 $0x7F, v10;
	v9 =	vshll.u32 v9, $0x7  }
0x97: {  	v12 =	vshll.u32 v12, $0x7;
	v25 =	vshll.u32 v16, $0x7;
	v16 =	vadd.s32 s16, v0  }
0x98: {  	v17 =	vld.idx.msk [tilespmem:v17+s3+$0x0], $0xffff;
	v27 =	vshll.u32 v5, $0x7;
	v28 =	vshll.u32 v18, $0x7;
	v4 =	vadd.s32 v1, v4  }
0x99: {  	v13 =	vld.idx.msk [tilespmem:v13+s3+$0x0], $0xffff;
	v14 =	vshll.u32 v14, $0x7;
	v3 =	vadd.s32 v1, v3;
	v4 =	vadd.s32 v19, v4  }
0x9a: {  	v15 =	vld.idx.msk [tilespmem:v15+s3+$0x0], $0xffff;
	v6 =	vadd.s32 v1, v6;
	v3 =	vadd.s32 v22, v3;
	v4 =	vor.u32 v11, v4  }
0x9b: {  	s15 =	simm.s32 $0x9;
	v57 =	vld.idx.msk [tilespmem:v35+s3+$0x0], $0xffff;
	v9 =	vadd.s32 v1, v9;
	v27 =	vadd.s32 v1, v27;
	v3 =	vor.u32 v23, v3  }
0x9c: {  	v29 =	vld.idx.msk [tilespmem:v29+s3+$0x0], $0xffff;
	v19 =	vand.u32 $0x7F, v7;
	v11 =	vadd.s32 v1, v20;
	v23 =	vadd.s32 s15, v0  }
0x9d: {  	v8 =	vld.idx.msk [tilespmem:v8+s3+$0x0], $0xffff;
	v22 =	vand.u32 $0xFFFFFF80, v10;
	v7 =	vshll.u32 v7, $0x7;
	v11 =	vor.u32 $0x40, v11  }
0x9e: {  	s21 =	simm.s32 $0xB;
	v10 =	vshll.u32 v10, $0x7;
	v20 =	vand.u32 $0xFFFFFF80, v5;
	v7 =	vadd.s32 v1, v7;
	v16 =	vld.idx.msk [tilespmem:v16+s3+$0x0], $0xffff  }
0x9f: {  	v10 =	vadd.s32 v1, v10;
	[tilespmem:v4+s10+$0x0] =	vst.idx.add.f32.msk $0xffff, v2;
	v4 =	vadd.s32 v1, v12;
	v12 =	vadd.s32 s21, v0  }
0xa0: {  	[tilespmem:v3+s10+$0x0] =	vst.idx.add.f32.msk $0xffff, v2;
	v3 =	vor.u32 $0x40, v10;
	v10 =	vadd.s32 v1, v14;
	v4 =	vadd.s32 v22, v4  }
0xa1: {  	v23 =	vld.idx.msk [tilespmem:v23+s3+$0x0], $0xffff;
	v10 =	vadd.s32 v21, v10;
	v24 =	vor.u32 v24, v4;
	v4 =	vshll.u32 v17, $0x7  }
0xa2: {  	v22 =	vand.u32 $0xFFFFFF80, v8;
	[tilespmem:v11+s10+$0x0] =	vst.idx.add.f32.msk $0xffff, v2;
	v36 =	vor.u32 v19, v10;
	v4 =	vadd.s32 v1, v4  }
0xa3: {  	v30 =	vand.u32 $0x7F, v8;
	v11 =	vshll.u32 v13, $0x7;
	v17 =	vld.idx.msk [tilespmem:v26+s3+$0x0], $0xffff;
	v14 =	vadd.s32 v22, v4  }
0xa4: {  	v21 =	vand.u32 $0xFFFFFF80, v15;
	v11 =	vadd.s32 v1, v11;
	v13 =	vor.u32 v30, v14;
	v12 =	vld.idx.msk [tilespmem:v12+s3+$0x0], $0xffff  }
0xa5: {  	s28 =	simm.s32 $0x8;
	s30 =	simm.s32 $0x32A;
	v26 =	vadd.s32 v1, v28;
	v28 =	vand.u32 $0x7F, v15;
	v16 =	vshll.u32 v16, $0x7;
	v10 =	vld.idx.msk [tilespmem:v32+s3+$0x0], $0xffff  }
0xa6: {  	s25 =	simm.s32 $0x32E;
	s26 =	simm.s32 $0xD;
	v19 =	vadd.s32 s30, v0;
	[tilespmem:v24+s10+$0x0] =	vst.idx.add.f32.msk $0xffff, v2;
	v24 =	vor.u32 $0x40, v7;
	v7 =	vadd.s32 s28, v0  }
0xa7: {  	v11 =	vadd.s32 v21, v11;
	v4 =	vadd.s32 s25, v0;
	v14 =	vadd.s32 s26, v0;
	[tilespmem:v36+s10+$0x0] =	vst.idx.add.f32.msk $0xffff, v2  }
0xa8: {  	v22 =	vand.u32 $0x7F, v18;
	v11 =	vor.u32 v28, v11;
	v28 =	vadd.s32 v1, v16;
	[tilespmem:v3+s10+$0x0] =	vst.idx.add.f32.msk $0xffff, v2  }
0xa9: {  	v16 =	vshll.u32 v17, $0x7;
	[tilespmem:v13+s10+$0x0] =	vst.idx.add.f32.msk $0xffff, v2;
	v13 =	vshll.u32 v15, $0x7;
	v12 =	vshll.u32 v12, $0x7  }
0xaa: {  	v3 =	vld.idx.msk [tilespmem:v34+s3+$0x0], $0xffff;
	v15 =	vand.u32 $0xFFFFFF80, v17;
	v17 =	vand.u32 $0x7F, v17;
	v21 =	vadd.s32 v1, v12  }
0xab: {  	v12 =	vld.idx.msk [tilespmem:v7+s3+$0x0], $0xffff;
	v7 =	vadd.s32 v1, v13;
	v13 =	vadd.s32 v15, v21;
	v15 =	vand.u32 $0xFFFFFF80, v18  }
0xac: {  	v62 =	vld.idx.msk [tilespmem:v14+s3+$0x0], $0xffff;
	v14 =	vand.u32 $0x7F, v57;
	v60 =	vor.u32 v17, v13;
	v6 =	vadd.s32 v15, v6  }
0xad: {  	v21 =	vld.idx.msk [tilespmem:v33+s3+$0x0], $0xffff;
	v61 =	vor.u32 $0x40, v7;
	v15 =	vadd.s32 v1, v16;
	v16 =	vor.u32 $0x40, v26  }
0xae: {  	v7 =	vshll.u32 v8, $0x7;
	v8 =	vadd.s32 v1, v25;
	v18 =	vor.u32 v22, v6;
	v22 =	vld.idx.msk [tilespmem:v19+s3+$0x0], $0xffff  }
0xaf: {  	[tilespmem:v11+s10+$0x0] =	vst.idx.add.f32.msk $0xffff, v2;
	v26 =	vshll.u32 v29, $0x7;
	v6 =	vshll.u32 v23, $0x7;
	v23 =	vand.u32 $0x7F, v5  }
0xb0: {  	[tilespmem:v24+s10+$0x0] =	vst.idx.add.f32.msk $0xffff, v2;
	v19 =	vor.u32 $0x40, v27;
	v5 =	vand.u32 $0xFFFFFF80, v3;
	v17 =	vadd.s32 v1, v7  }
0xb1: {  	v13 =	vld.idx.msk [tilespmem:v31+s3+$0x0], $0xffff;
	v20 =	vadd.s32 v20, v8;
	v15 =	vor.u32 $0x40, v15;
	v63 =	vor.u32 $0x40, v17  }
0xb2: {  	v7 =	vld.idx.msk [tilespmem:v58+s3+$0x0], $0xffff;
	v27 =	vor.u32 $0x40, v9;
	v6 =	vadd.s32 v1, v6;
	v17 =	vand.u32 $0xFFFFFF80, v57  }
0xb3: {  	v8 =	vld.idx.msk [tilespmem:v59+s3+$0x0], $0xffff;
	v25 =	vor.u32 v23, v20;
	v23 =	vand.u32 $0x7F, v21;
	v9 =	vand.u32 $0xFFFFFF80, v22  }
0xb4: {  	v24 =	vand.u32 $0xFFFFFF80, v21;
	[tilespmem:v60+s10+$0x0] =	vst.idx.add.f32.msk $0xffff, v2;
	v11 =	vand.u32 $0x7F, v22;
	v9 =	vadd.s32 v9, v28  }
0xb5: {  	[tilespmem:v61+s10+$0x0] =	vst.idx.add.f32.msk $0xffff, v2;
	v20 =	vshll.u32 v22, $0x7;
	v28 =	vshll.u32 v57, $0x7;
	v22 =	vor.u32 v11, v9  }
0xb6: {  	s16 =	simm.s32 $0x10;
	[tilespmem:v63+s10+$0x0] =	vst.idx.add.f32.msk $0xffff, v2;
	v9 =	vadd.s32 v1, v20;
	v11 =	vshll.u32 v62, $0x7;
	v20 =	vadd.s32 v1, v28  }
.LBB2_4:
0xb7: {  	s12 =	sadd.s32 $0x1, s16  }
0xb8: {  	s14 =	sadd.s32 $0x2, s16;
	s17 =	sadd.s32 $0x3, s16;
	v21 =	vshll.u32 v21, $0x7;
	v28 =	vshll.u32 v3, $0x7;
	[tilespmem:v27+s10+$0x0] =	vst.idx.add.f32.msk $0xffff, v2;
	s15 =	smov.u32 s16  }
0xb9: {  	s13 =	sadd.s32 $0x321, s16;
	s18 =	sadd.s32 $0x4, s16;
	v30 =	vshll.u32 v8, $0x7;
	v27 =	vadd.s32 s12, v0;
	v29 =	vadd.s32 s14, v0;
	s12 =	sadd.s32 $0x323, s16;
	[tilespmem:v25+s10+$0x0] =	vst.idx.add.f32.msk $0xffff, v2  }
0xba: {  	v32 =	vand.u32 $0x7F, v7;
	s14 =	sadd.s32 $0x322, s16;
	v31 =	vadd.s32 s18, v0;
	s18 =	sadd.s32 $0x7, s16;
	v25 =	vadd.s32 s12, v0;
	s12 =	sadd.s32 $0x6, s16;
	[tilespmem:v18+s10+$0x0] =	vst.idx.add.f32.msk $0xffff, v2  }
0xbb: {  	s19 =	sadd.s32 $0x324, s16;
	s20 =	sadd.s32 $0x325, s16;
	s21 =	sadd.s32 $0x326, s16;
	v26 =	vadd.s32 v1, v26;
	v33 =	vadd.s32 s18, v0;
	v18 =	vadd.s32 s12, v0;
	[tilespmem:v19+s10+$0x0] =	vst.idx.add.f32.msk $0xffff, v2  }
0xbc: {  	v35 =	vand.u32 $0xFFFFFF80, v7;
	v34 =	vadd.s32 s20, v0;
	s18 =	sadd.s32 $0x5, s15;
	v19 =	vadd.s32 s19, v0;
	s19 =	sadd.s32 $0x327, s15;
	s12 =	sadd.s32 $0x8, s16;
	[tilespmem:v16+s10+$0x0] =	vst.idx.add.f32.msk $0xffff, v2  }
0xbd: {  	p0 =	slt.u32 s16, $0x318;
	v24 =	vadd.s32 v24, v26;
	v16 =	vadd.s32 s17, v0;
	v36 =	vadd.s32 s19, v0;
	v26 =	vld.idx.msk [tilespmem:v4+s3+$0x0], $0xffff  }
0xbe: {  	v10 =	vshll.u32 v10, $0x7;
	v23 =	vor.u32 v23, v24;
	v4 =	vadd.s32 v1, v21;
	v27 =	vld.idx.msk [tilespmem:v27+s3+$0x0], $0xffff  }
0xbf: {  	v12 =	vshll.u32 v12, $0x7;
	v10 =	vadd.s32 v1, v10;
	v24 =	vor.u32 $0x40, v4;
	v21 =	vld.idx.msk [tilespmem:v29+s3+$0x0], $0xffff  }
0xc0: {  	v13 =	vshll.u32 v13, $0x7;
	v12 =	vadd.s32 v1, v12;
	v4 =	vadd.s32 s21, v0;
	v25 =	vld.idx.msk [tilespmem:v25+s3+$0x0], $0xffff  }
0xc1: {  	v13 =	vadd.s32 v1, v13;
	v12 =	vadd.s32 v35, v12;
	v29 =	vadd.s32 s18, v0;
	[tilespmem:v22+s10+$0x0] =	vst.idx.add.f32.msk $0xffff, v2  }
0xc2: {  	v10 =	vadd.s32 v17, v10;
	v12 =	vor.u32 v32, v12;
	v22 =	vand.u32 $0x7F, v8;
	[tilespmem:v15+s10+$0x0] =	vst.idx.add.f32.msk $0xffff, v2  }
0xc3: {  	v20 =	vor.u32 $0x40, v20;
	v17 =	vand.u32 $0xFFFFFF80, v26;
	v15 =	vld.idx.msk [tilespmem:v16+s3+$0x0], $0xffff;
	v16 =	vadd.s32 v1, v30  }
0xc4: {  	v35 =	vand.u32 $0x7F, v26;
	v30 =	vadd.s32 s15, v0;
	s15 =	sadd.s32 $0x320, s15;
	v13 =	vadd.s32 v17, v13;
	v32 =	vld.idx.msk [tilespmem:v36+s3+$0x0], $0xffff  }
0xc5: {  	v17 =	vadd.s32 s15, v0;
	v21 =	vshll.u32 v21, $0x7;
	[tilespmem:v23+s10+$0x0] =	vst.idx.add.f32.msk $0xffff, v2;
	v23 =	vor.u32 v35, v13  }
0xc6: {  	v14 =	vor.u32 v14, v10;
	v35 =	vadd.s32 v1, v21;
	v13 =	vshll.u32 v25, $0x7;
	v31 =	vld.idx.msk [tilespmem:v31+s3+$0x0], $0xffff  }
0xc7: {  	v36 =	vadd.s32 s14, v0;
	v21 =	vshll.u32 v26, $0x7;
	[tilespmem:v24+s10+$0x0] =	vst.idx.add.f32.msk $0xffff, v2;
	v24 =	vadd.s32 v1, v28  }
0xc8: {  	v26 =	vadd.s32 s13, v0;
	[tilespmem:v12+s10+$0x0] =	vst.idx.add.f32.msk $0xffff, v2  }
0xc9: {  	v12 =	vshll.u32 v15, $0x7;
	v15 =	vand.u32 $0xFFFFFF80, v25;
	v10 =	vld.idx.msk [tilespmem:v33+s3+$0x0], $0xffff  }
0xca: {  	v25 =	vand.u32 $0x7F, v25;
	v28 =	vadd.s32 v1, v12;
	v33 =	vld.idx.msk [tilespmem:v34+s3+$0x0], $0xffff;
	v34 =	vadd.s32 v1, v21  }
0xcb: {  	v8 =	vand.u32 $0xFFFFFF80, v8;
	v15 =	vadd.s32 v15, v28;
	v12 =	vld.idx.msk [tilespmem:v30+s3+$0x0], $0xffff  }
0xcc: {  	v6 =	vadd.s32 v8, v6;
	v28 =	vor.u32 v25, v15;
	v30 =	vor.u32 $0x40, v34;
	v21 =	vld.idx.msk [tilespmem:v19+s3+$0x0], $0xffff  }
0xcd: {  	v8 =	vadd.s32 v1, v13;
	v13 =	vld.idx.msk [tilespmem:v18+s3+$0x0], $0xffff;
	v18 =	vor.u32 v22, v6  }
0xce: {  	v16 =	vor.u32 $0x40, v16;
	v6 =	vshll.u32 v27, $0x7;
	v22 =	vld.idx.msk [tilespmem:v36+s3+$0x0], $0xffff  }
0xcf: {  	v25 =	vand.u32 $0x7F, v3;
	v19 =	vor.u32 $0x40, v24;
	v29 =	vld.idx.msk [tilespmem:v29+s3+$0x0], $0xffff  }
0xd0: {  	v27 =	vshll.u32 v7, $0x7;
	v7 =	vadd.s32 v1, v11;
	v6 =	vadd.s32 v1, v6;
	[tilespmem:v14+s10+$0x0] =	vst.idx.add.f32.msk $0xffff, v2  }
0xd1: {  	v24 =	vadd.s32 v1, v27;
	v11 =	vadd.s32 v5, v7;
	v5 =	vand.u32 $0xFFFFFF80, v33;
	[tilespmem:v23+s10+$0x0] =	vst.idx.add.f32.msk $0xffff, v2  }
0xd2: {  	v15 =	vor.u32 $0x40, v8;
	v34 =	vor.u32 $0x40, v24;
	v3 =	vmovc v33;
	v14 =	vand.u32 $0x7F, v32;
	v7 =	vld.idx.msk [tilespmem:v17+s3+$0x0], $0xffff  }
.Ltmp1:
0xd3: {  	v27 =	vor.u32 $0x40, v9;
	v25 =	vor.u32 v25, v11;
	v17 =	vand.u32 $0xFFFFFF80, v32;
	v8 =	vld.idx.msk [tilespmem:v26+s3+$0x0], $0xffff;
	(pc) =	sbr.rel @p0 .LBB2_4-.Ltmp1, $4  }
0xd4: {  	v23 =	vand.u32 $0x7F, v21;
	v9 =	vand.u32 $0xFFFFFF80, v22;
	v11 =	vand.u32 $0x7F, v22;
	[tilespmem:v20+s10+$0x0] =	vst.idx.add.f32.msk $0xffff, v2  }
0xd5: {  	v26 =	vshll.u32 v31, $0x7;
	v9 =	vadd.s32 v9, v35;
	v20 =	vshll.u32 v22, $0x7;
	[tilespmem:v28+s10+$0x0] =	vst.idx.add.f32.msk $0xffff, v2  }
0xd6: {  	v24 =	vand.u32 $0xFFFFFF80, v21;
	v22 =	vor.u32 v11, v9;
	v28 =	vshll.u32 v32, $0x7;
	[tilespmem:v30+s10+$0x0] =	vst.idx.add.f32.msk $0xffff, v2  }
0xd7: {  	s16 =	smov.u32 s12;
	v9 =	vadd.s32 v1, v20;
	v11 =	vshll.u32 v29, $0x7;
	v20 =	vadd.s32 v1, v28;
	[tilespmem:v34+s10+$0x0] =	vst.idx.add.f32.msk $0xffff, v2  }
0xd8: {  	_ =	sdelay $0x3  }
0xd9: {  	[tilespmem:v27+s10+$0x0] =	vst.idx.add.f32.msk $0xffff, v2;
	v26 =	vadd.s32 v1, v26;
	v21 =	vshll.u32 v21, $0x7  }
0xda: {  	[tilespmem:v25+s10+$0x0] =	vst.idx.add.f32.msk $0xffff, v2;
	v51 =	vand.u32 $0x7F, v7;
	v52 =	vand.u32 $0xFFFFFF80, v7;
	v12 =	vshll.u32 v12, $0x7  }
0xdb: {  	[tilespmem:v18+s10+$0x0] =	vst.idx.add.f32.msk $0xffff, v2;
	v58 =	vshll.u32 v3, $0x7;
	v59 =	vand.u32 $0xFFFFFF80, v8;
	v11 =	vadd.s32 v1, v11  }
0xdc: {  	[tilespmem:v22+s10+$0x0] =	vst.idx.add.f32.msk $0xffff, v2;
	v3 =	vand.u32 $0x7F, v3;
	v9 =	vor.u32 $0x40, v9;
	v24 =	vadd.s32 v24, v26  }
0xdd: {  	[tilespmem:v15+s10+$0x0] =	vst.idx.add.f32.msk $0xffff, v2;
	v60 =	vand.u32 $0x7F, v8;
	v5 =	vadd.s32 v5, v11;
	v23 =	vor.u32 v23, v24  }
0xde: {  	v4 =	vld.idx.msk [tilespmem:v4+s3+$0x0], $0xffff;
	v53 =	vadd.s32 v1, v21;
	v6 =	vadd.s32 v59, v6;
	v3 =	vor.u32 v3, v5  }
0xdf: {  	v10 =	vshll.u32 v10, $0x7;
	[tilespmem:v19+s10+$0x0] =	vst.idx.add.f32.msk $0xffff, v2;
	v12 =	vadd.s32 v1, v12;
	v6 =	vor.u32 v60, v6  }
0xe0: {  	v10 =	vadd.s32 v1, v10;
	[tilespmem:v16+s10+$0x0] =	vst.idx.add.f32.msk $0xffff, v2;
	v18 =	vor.u32 $0x40, v53;
	v12 =	vadd.s32 v52, v12  }
0xe1: {  	v13 =	vshll.u32 v13, $0x7;
	v10 =	vadd.s32 v17, v10;
	v12 =	vor.u32 v51, v12;
	[tilespmem:v9+s10+$0x0] =	vst.idx.add.f32.msk $0xffff, v2  }
0xe2: {  	v61 =	vshll.u32 v8, $0x7;
	v62 =	vadd.s32 v1, v58;
	v10 =	vor.u32 v14, v10;
	[tilespmem:v23+s10+$0x0] =	vst.idx.add.f32.msk $0xffff, v2  }
0xe3: {  	v57 =	vshll.u32 v7, $0x7;
	v5 =	vadd.s32 v1, v61;
	v8 =	vor.u32 $0x40, v62;
	[tilespmem:v3+s10+$0x0] =	vst.idx.add.f32.msk $0xffff, v2  }
0xe4: {  	v56 =	vor.u32 $0x40, v20;
	v7 =	vadd.s32 v1, v57;
	v63 =	vor.u32 $0x40, v5;
	[tilespmem:v6+s10+$0x0] =	vst.idx.add.f32.msk $0xffff, v2  }
0xe5: {  	v13 =	vadd.s32 v1, v13;
	v7 =	vor.u32 $0x40, v7;
	v54 =	vand.u32 $0xFFFFFF80, v4;
	[tilespmem:v18+s10+$0x0] =	vst.idx.add.f32.msk $0xffff, v2  }
0xe6: {  	v55 =	vand.u32 $0x7F, v4;
	v4 =	vshll.u32 v4, $0x7;
	v13 =	vadd.s32 v54, v13;
	[tilespmem:v12+s10+$0x0] =	vst.idx.add.f32.msk $0xffff, v2  }
0xe7: {  	v4 =	vadd.s32 v1, v4;
	v13 =	vor.u32 v55, v13;
	[tilespmem:v10+s10+$0x0] =	vst.idx.add.f32.msk $0xffff, v2  }
0xe8: {  	v4 =	vor.u32 $0x40, v4;
	[tilespmem:v8+s10+$0x0] =	vst.idx.add.f32.msk $0xffff, v2  }
0xe9: {  	[tilespmem:v63+s10+$0x0] =	vst.idx.add.f32.msk $0xffff, v2  }
0xea: {  	[tilespmem:v56+s10+$0x0] =	vst.idx.add.f32.msk $0xffff, v2  }
0xeb: {  	s11 =	sadd.s32 $0x1, s11;
	[tilespmem:v7+s10+$0x0] =	vst.idx.add.f32.msk $0xffff, v2  }
0xec: {  	p0 =	sne.s32 s11, s8;
	[tilespmem:v13+s10+$0x0] =	vst.idx.add.f32.msk $0xffff, v2  }
.Ltmp2:
0xed: {  	[tilespmem:v4+s10+$0x0] =	vst.idx.add.f32.msk $0xffff, v2;
	(pc) =	sbr.rel @p0 .LBB2_1-.Ltmp2, $4  }
0xee: {  	[hbm4b:s7+s3] =	stream.linear.scatter [tilespmem:s10], [sflag:$0x1], $0x19000, $0x38;
	[tilespmem:$0x1F400] =	vst v63  }
0xef: {  	_ =	swait.ge [sflag:s9], $0x19000  }
0xf0: {  	[sflag:s9] =	ssyncset.done $0x0  }
0xf1: {  	[sflag:s9] =	ssyncadd.s32 $0xFFFE7000  }
0xf2: {  	_ =	sfence.sel $0x180000  }
0xf3: {  	[bflag:$0x0] =	sbarrier.arrive $0xFFFF  }
0xf4: {  	p0 =	sne.s32 s0, $0x0;
	_ =	strace $0x90000047  }
0xf5: {  	s0 =	sadd.s32 @!p0 $0x100000, s1;
	[bflag:$0x2] =	sbarrier.arrive $0xFFFF  }
0xf6: {  	[sflag:s0] =	ssyncadd.tile.s32 @!p0 $0x1;
	_ =	shalt  }
.Lfunc_end2:
_tile_overlayer_lowered:
.L_overlay_start_2:
0xf7: {  	(tag) =	ssettag $0x2  }
0xf8: {  	s0 =	rddreg [dreg:$0x0];
	s2 =	stileid.u32  }
0xf9: {  	s1 =	rddreg [dreg:$0x1];
	p0 =	sne.s32 s2, $0x0  }
0xfa: {  	s3 =	rddreg [dreg:$0x2];
	[bflag:$0x3] =	sbarrier.arrive $0xFFFF;
	s2 =	simm.s32 @!p0 $0x1C01  }
0xfb: {  	[timem:s3], [sflag:s2] =	dma.local @!p0 [hbm:s0], s1  }
0xfc: {  	s0 =	simm.s32 @!p0 $0x1  }
0xfd: {  	_ =	swait.ge @!p0 [sflag:s0], s1  }
0xfe: {  	s1 =	ssub.s32 @!p0 $0x0, s1;
	[sflag:s0] =	ssyncset.done @!p0 $0x0  }
0xff: {  	[sflag:s0] =	ssyncadd.s32 @!p0 s1  }
0x100: {  	[bflag:$0x3] =	sbarrier.arrive $0xFFFF  }
0x101: {  	_ =	shalt  }

</sc_bundles>
